<compile_context>
chip_gen: v7x
topology: tpu7x:2x2x1
jax: 0.10.2.dev20260603
libtpu: 0.0.44.dev20260713+nightly
codegen_flags: <defaults>
</compile_context>

<pallas_src>
import functools

import jax
import jax.numpy as jnp
from jax import lax
from jax.experimental import pallas as pl
from jax.experimental.pallas import tpu as pltpu
from jax.experimental.pallas import tpu_sc as plsc

B = 8
C = 192
H = 224
W = 224
HW = H * W
K = HW // 4
NCHUNK = K // 16
NW = 32
CPB = NW // B
CPW = C // CPB


def _build():
    mesh = plsc.VectorSubcoreMesh(core_axis_name="c", subcore_axis_name="s")

    @functools.partial(
        pl.kernel,
        mesh=mesh,
        out_type=jax.ShapeDtypeStruct((B, C, K), jnp.float32),
        compiler_params=pltpu.CompilerParams(needs_layout_passes=False),
        scratch_types=[
            pltpu.VMEM((HW + 16,), jnp.float32),
            pltpu.VMEM((HW + 16,), jnp.float32),
            pltpu.VMEM((K + 16,), jnp.int32),
            pltpu.VMEM((K,), jnp.float32),
            pltpu.SemaphoreType.DMA,
            pltpu.SemaphoreType.DMA,
            pltpu.SemaphoreType.DMA,
        ],
    )
    def k(inp_hbm, mask_hbm, out_hbm, vbuf0, vbuf1, idxbuf, obuf,
          sem0, sem1, semo):
        cid = lax.axis_index("c")
        sid = lax.axis_index("s")
        wid = sid * 2 + cid
        b = wid // CPB
        ch0 = (wid % CPB) * CPW
        row0 = b * C + ch0
        iota = lax.iota(jnp.int32, 16)

        zrow = jnp.zeros((16,), jnp.float32)
        vbuf0[pl.ds(HW, 16)] = zrow
        vbuf1[pl.ds(HW, 16)] = zrow

        last_row = B * C - 1

        def start_in(r, vbuf, sem):
            pltpu.async_copy(
                inp_hbm.at[jnp.minimum(r, last_row)],
                vbuf.at[pl.ds(0, HW)], sem)

        def wait_in(vbuf, sem):
            pltpu.make_async_copy(
                inp_hbm.at[0], vbuf.at[pl.ds(0, HW)], sem).wait()

        pltpu.sync_copy(mask_hbm.at[b], vbuf0.at[pl.ds(0, HW)])
        start_in(row0, vbuf1, sem1)

        @plsc.parallel_loop(0, NCHUNK + 1, unroll=4)
        def _(t):
            idxbuf[pl.ds(t * 16, 16)] = jnp.full((16,), HW, jnp.int32)

        def comp(rr, cnt):
            for t in range(W // 2 // 16):
                fpos = 2 * W * rr + 32 * t + 2 * iota
                mv = plsc.bitcast(plsc.load_gather(vbuf0, [fpos]), jnp.int32)
                keep = mv >= 1
                cum = plsc.cumsum(keep.astype(jnp.int32))
                plsc.store_scatter(idxbuf, [cnt + cum - 1], fpos, mask=keep)
                cnt = cnt + cum[15]
            return cnt

        lax.fori_loop(0, H // 2, comp, jnp.int32(0))

        def gather_to(vbuf):
            @plsc.parallel_loop(0, NCHUNK, unroll=8)
            def _(j):
                off = j * 16
                v = idxbuf[pl.ds(off, 16)]
                obuf[pl.ds(off, 16)] = plsc.load_gather(vbuf, [v])

        def start_out(chv):
            pltpu.async_copy(obuf, out_hbm.at[b, chv], semo)

        def wait_out():
            pltpu.make_async_copy(obuf, out_hbm.at[b, ch0], semo).wait()

        def chan(i, carry):
            wait_in(vbuf1, sem1)
            start_in(row0 + 2 * i + 1, vbuf0, sem0)

            @pl.when(i > 0)
            def _():
                wait_out()

            gather_to(vbuf1)
            start_out(ch0 + 2 * i)
            wait_in(vbuf0, sem0)
            start_in(row0 + 2 * i + 2, vbuf1, sem1)
            wait_out()
            gather_to(vbuf0)
            start_out(ch0 + 2 * i + 1)
            return carry

        lax.fori_loop(0, CPW // 2, chan, 0)
        wait_in(vbuf1, sem1)
        wait_out()

    return k


def kernel(input, pooling_mask):
    inp_rows = input.reshape(B * C, HW)
    mask_rows = lax.bitcast_convert_type(
        pooling_mask.reshape(B, HW), jnp.float32)
    return _build()(inp_rows, mask_rows)

# --- scband reference (transcript-rebuilt; emitter-appended) ---
"""Pipeline reference for scband-batch-irregular-downsample2d-8684423872931 (READ-ONLY COPY).

The authoritative reference and input builder live on the scoring server;
editing this copy changes nothing except your own understanding.
"""

import jax, jax.numpy as jnp
import numpy as np

NUMBER_DOWNSAMPLE = 1


def _forward(input, pooling_mask):
    nd = NUMBER_DOWNSAMPLE
    B = pooling_mask.shape[0]
    hw = pooling_mask.shape[1] * pooling_mask.shape[2] * pooling_mask.shape[3]
    nr_valid_elements_current_all = [hw for _ in range(B)]
    nr_valid_elements_after_all = [hw // 4 for _ in range(B)]
    max_elements = max(nr_valid_elements_after_all)
    step = 2 ** (nd - 1)
    outputs = []
    for b in range(B):
        start_idx = 0.0
        for i in range(0, nd - 1):
            start_idx += float(jnp.sum((pooling_mask[b:b + 1] == i).astype(jnp.float32))) / (4 ** i)
        start_idx = int(start_idx)
        graph_higher_res = input[b:b + 1, :, :start_idx]
        graph_current_res = input[b:b + 1, :, start_idx:nr_valid_elements_current_all[b]]
        current_scale_mask = (pooling_mask[b:b + 1] >= nd - 1).astype(jnp.float32)
        dont_touch_mask = (pooling_mask[b:b + 1] < nd).astype(jnp.float32)
        current_scale_mask = current_scale_mask[:, :, ::step, ::step]
        dont_touch_mask = dont_touch_mask[:, :, ::step, ::step]
        Hs = current_scale_mask.shape[2]
        Ws = current_scale_mask.shape[3]
        flat_cs = current_scale_mask.reshape(-1)
        flat_dt = dont_touch_mask.reshape(-1)
        idx = jnp.arange(Hs * Ws)
        r = idx // Ws
        c = idx % Ws
        keep_indices = ((r % 2 + c % 2) == 0).astype(jnp.float32)
        keep_indices = keep_indices * flat_cs
        keep_indices = keep_indices - flat_dt * keep_indices
        K = hw // 4
        pos = jnp.cumsum((keep_indices != 0).astype(jnp.int32)) - 1
        tgt = jnp.where(keep_indices != 0, pos, K)
        vals = graph_current_res[0]
        out = jnp.zeros((vals.shape[0], K), dtype=vals.dtype).at[:, tgt].set(vals, mode='drop')
        output_lower_res = out[None]
        output_dont_touch = graph_current_res[:, :, :0]
        output_graph = jnp.concatenate([graph_higher_res, output_dont_touch, output_lower_res], axis=2)
        nr_padding = max_elements - output_graph.shape[-1]
        padding = jnp.zeros((1, output_graph.shape[1], nr_padding), dtype=output_graph.dtype)
        output_graph = jnp.concatenate([output_graph, padding], axis=-1)
        outputs.append(output_graph)
    return jnp.concatenate(outputs, axis=0)


def setup_inputs(seed: int = 0) -> dict:
    key = jax.random.key(seed)
    k1, _ = jax.random.split(key)
    inp = jax.random.normal(k1, (8, 192, 50176), dtype=jnp.float32)
    pooling_mask = jnp.ones((8, 1, 224, 224), dtype=jnp.int32)
    return {"input": inp, "pooling_mask": pooling_mask}


def reference(input, pooling_mask):
    return _forward(input, pooling_mask)

if __name__ == "__main__":
    import jax
    _d = setup_inputs()
    print(jax.jit(kernel)(*tuple(_d.values())))

</pallas_src>

<mosaic_0001>
#map = affine_map<(d0, d1) -> (0, 0)>
#map1 = affine_map<(d0, d1) -> (0, 0, 0)>
module attributes {stable_mosaic.version = 14 : i64} {
  func.func @k(%arg0: i32, %arg1: i32, %arg2: memref<1536x50176xf32, #tpu.memory_space<hbm>>, %arg3: memref<8x50176xf32, #tpu.memory_space<hbm>>, %arg4: memref<8x192x12544xf32, #tpu.memory_space<hbm>>, %arg5: memref<50192xf32, #tpu.memory_space<vmem>>, %arg6: memref<50192xf32, #tpu.memory_space<vmem>>, %arg7: memref<12560xi32, #tpu.memory_space<vmem>>, %arg8: memref<12544xf32, #tpu.memory_space<vmem>>, %arg9: memref<!tpu.dma_semaphore, #tpu.memory_space<semaphore_mem>>, %arg10: memref<!tpu.dma_semaphore, #tpu.memory_space<semaphore_mem>>, %arg11: memref<!tpu.dma_semaphore, #tpu.memory_space<semaphore_mem>>) attributes {dimension_semantics = [#tpu.dimension_semantics<core_parallel>, #tpu.dimension_semantics<subcore_parallel>], iteration_bounds = array<i64: 2, 16>, scalar_prefetch = 0 : i64, scratch_operands = 7 : i64, tpu.core_type = #tpu.core_type<sc_vector_subcore>, window_params = [{transform_indices = #map}, {transform_indices = #map}, {transform_indices = #map1}]} {
    %mul3A = arith.constant 2 : i32
    %mul3A_0 = arith.muli %arg1, %mul3A : i32
    %add3A = arith.addi %mul3A_0, %arg0 : i32
    %jit3A = arith.constant 4 : i32
    %div3A = arith.divsi %add3A, %jit3A : i32
    %sign3A = arith.constant 0 : i32
    %sign3A_1 = arith.cmpi sgt, %add3A, %sign3A : i32
    %sign3A_2 = arith.extui %sign3A_1 : i1 to i32
    %sign3A_3 = arith.constant 0 : i32
    %sign3A_4 = arith.cmpi slt, %add3A, %sign3A_3 : i32
    %sign3A_5 = arith.extui %sign3A_4 : i1 to i32
    %sign3A_6 = arith.subi %sign3A_2, %sign3A_5 : i32
    %sign3A_7 = arith.constant 0 : i32
    %sign3A_8 = arith.cmpi sgt, %jit3A, %sign3A_7 : i32
    %sign3A_9 = arith.extui %sign3A_8 : i1 to i32
    %sign3A_10 = arith.constant 0 : i32
    %sign3A_11 = arith.cmpi slt, %jit3A, %sign3A_10 : i32
    %sign3A_12 = arith.extui %sign3A_11 : i1 to i32
    %sign3A_13 = arith.subi %sign3A_9, %sign3A_12 : i32
    %ne3A = arith.cmpi ne, %sign3A_6, %sign3A_13 : i32
    %rem3A = arith.remsi %add3A, %jit3A : i32
    %ne3A_14 = arith.constant 0 : i32
    %ne3A_15 = arith.cmpi ne, %rem3A, %ne3A_14 : i32
    %and3A = arith.andi %ne3A, %ne3A_15 : i1
    %sub3A = arith.constant 1 : i32
    %sub3A_16 = arith.subi %div3A, %sub3A : i32
    %select_n3A = arith.select %and3A, %sub3A_16, %div3A : i32
    %jit3A_17 = arith.constant 4 : i32
    %eq3A = arith.constant 0 : i32
    %eq3A_18 = arith.cmpi eq, %jit3A_17, %eq3A : i32
    %jit3A_19 = arith.constant 1 : i32
    %select_n3A_20 = arith.select %eq3A_18, %jit3A_19, %jit3A_17 : i32
    %rem3A_21 = arith.remsi %add3A, %select_n3A_20 : i32
    %ne3A_22 = arith.constant 0 : i32
    %ne3A_23 = arith.cmpi ne, %rem3A_21, %ne3A_22 : i32
    %lt3A = arith.constant 0 : i32
    %lt3A_24 = arith.cmpi slt, %rem3A_21, %lt3A : i32
    %lt3A_25 = arith.constant 0 : i32
    %lt3A_26 = arith.cmpi slt, %select_n3A_20, %lt3A_25 : i32
    %ne3A_27 = arith.xori %lt3A_24, %lt3A_26 : i1
    %and3A_28 = arith.andi %ne3A_27, %ne3A_23 : i1
    %add3A_29 = arith.addi %rem3A_21, %select_n3A_20 : i32
    %select_n3A_30 = arith.select %and3A_28, %add3A_29, %rem3A_21 : i32
    %mul3A_31 = arith.constant 48 : i32
    %mul3A_32 = arith.muli %select_n3A_30, %mul3A_31 : i32
    %mul3A_33 = arith.constant 192 : i32
    %mul3A_34 = arith.muli %select_n3A, %mul3A_33 : i32
    %add3A_35 = arith.addi %mul3A_34, %mul3A_32 : i32
    %iota3A = tpu.iota {dimensions = array<i32: 0>} : vector<16xi32>
    %broadcast_in_dim3A = arith.constant 0.000000e+00 : f32
    %broadcast_in_dim3A_36 = vector.broadcast %broadcast_in_dim3A : f32 to vector<16xf32>
    %swap3A = arith.constant 50176 : index
    %swap3A_37 = tpu.vector_load %arg5[%swap3A] {strides = array<i32>} : memref<50192xf32, #tpu.memory_space<vmem>>, vector<16xf32>,
    tpu.vector_store %arg5[%swap3A], %broadcast_in_dim3A_36 {strides = array<i32>} : memref<50192xf32, #tpu.memory_space<vmem>>, vector<16xf32>,
    %swap3A_38 = arith.constant 50176 : index
    %swap3A_39 = tpu.vector_load %arg6[%swap3A_38] {strides = array<i32>} : memref<50192xf32, #tpu.memory_space<vmem>>, vector<16xf32>,
    tpu.vector_store %arg6[%swap3A_38], %broadcast_in_dim3A_36 {strides = array<i32>} : memref<50192xf32, #tpu.memory_space<vmem>>, vector<16xf32>,
    "tpu.region"() ({
      %run_scoped3A = tpu.sem_alloc : memref<!tpu.dma_semaphore, #tpu.memory_space<semaphore_mem>>
      %dma_start3A_80 = arith.constant 0 : i32
      %dma_start3A_81 = tpu.memref_slice %arg5[%dma_start3A_80] : memref<50192xf32, #tpu.memory_space<vmem>> -> memref<50176xf32, #tpu.memory_space<vmem>>
      %dma_start3A_82 = arith.constant 0 : i32
      %dma_start3A_83 = tpu.memref_slice %arg3[%select_n3A, %dma_start3A_82] : memref<8x50176xf32, #tpu.memory_space<hbm>> -> memref<1x50176xf32, #tpu.memory_space<hbm>>
      %dma_start3A_84 = tpu.memref_squeeze %dma_start3A_83 : memref<1x50176xf32, #tpu.memory_space<hbm>> -> memref<50176xf32, #tpu.memory_space<hbm>>
      %dma_start3A_85 = arith.constant 0 : i32
      %dma_start3A_86 = tpu.memref_slice %arg5[%dma_start3A_85] : memref<50192xf32, #tpu.memory_space<vmem>> -> memref<50176xf32, #tpu.memory_space<vmem>>
      %dma_start3A_87 = arith.constant 0 : i32
      %dma_start3A_88 = tpu.memref_slice %arg3[%select_n3A, %dma_start3A_87] : memref<8x50176xf32, #tpu.memory_space<hbm>> -> memref<1x50176xf32, #tpu.memory_space<hbm>>
      %dma_start3A_89 = tpu.memref_squeeze %dma_start3A_88 : memref<1x50176xf32, #tpu.memory_space<hbm>> -> memref<50176xf32, #tpu.memory_space<hbm>>
      tpu.enqueue_dma source(%dma_start3A_89 : memref<50176xf32, #tpu.memory_space<hbm>>) target(%dma_start3A_86 : memref<50176xf32, #tpu.memory_space<vmem>>) target_semaphore(%run_scoped3A : memref<!tpu.dma_semaphore, #tpu.memory_space<semaphore_mem>>)
      %dma_wait3A_90 = arith.constant 0 : i32
      %dma_wait3A_91 = tpu.memref_slice %arg5[%dma_wait3A_90] : memref<50192xf32, #tpu.memory_space<vmem>> -> memref<50176xf32, #tpu.memory_space<vmem>>
      %dma_wait3A_92 = arith.constant 0 : i32
      %dma_wait3A_93 = tpu.memref_slice %arg3[%select_n3A, %dma_wait3A_92] : memref<8x50176xf32, #tpu.memory_space<hbm>> -> memref<1x50176xf32, #tpu.memory_space<hbm>>
      %dma_wait3A_94 = tpu.memref_squeeze %dma_wait3A_93 : memref<1x50176xf32, #tpu.memory_space<hbm>> -> memref<50176xf32, #tpu.memory_space<hbm>>
      %dma_wait3A_95 = arith.constant 0 : i32
      %dma_wait3A_96 = tpu.memref_slice %arg5[%dma_wait3A_95] : memref<50192xf32, #tpu.memory_space<vmem>> -> memref<50176xf32, #tpu.memory_space<vmem>>
      %dma_wait3A_97 = arith.constant 0 : i32
      %dma_wait3A_98 = tpu.memref_slice %arg3[%select_n3A, %dma_wait3A_97] : memref<8x50176xf32, #tpu.memory_space<hbm>> -> memref<1x50176xf32, #tpu.memory_space<hbm>>
      %dma_wait3A_99 = tpu.memref_squeeze %dma_wait3A_98 : memref<1x50176xf32, #tpu.memory_space<hbm>> -> memref<50176xf32, #tpu.memory_space<hbm>>
      tpu.wait_dma2 semaphore(%run_scoped3A : memref<!tpu.dma_semaphore, #tpu.memory_space<semaphore_mem>>) src(%dma_wait3A_99 : memref<50176xf32, #tpu.memory_space<hbm>>) dst(%dma_wait3A_96 : memref<50176xf32, #tpu.memory_space<vmem>>)
      tpu.yield
    }) : () -> ()
    %min3A = arith.constant 1535 : i32
    %min3A_40 = arith.minsi %add3A_35, %min3A : i32
    %dma_start3A = arith.constant 0 : i32
    %dma_start3A_41 = tpu.memref_slice %arg6[%dma_start3A] : memref<50192xf32, #tpu.memory_space<vmem>> -> memref<50176xf32, #tpu.memory_space<vmem>>
    %dma_start3A_42 = arith.constant 0 : i32
    %dma_start3A_43 = tpu.memref_slice %arg2[%min3A_40, %dma_start3A_42] : memref<1536x50176xf32, #tpu.memory_space<hbm>> -> memref<1x50176xf32, #tpu.memory_space<hbm>>
    %dma_start3A_44 = tpu.memref_squeeze %dma_start3A_43 : memref<1x50176xf32, #tpu.memory_space<hbm>> -> memref<50176xf32, #tpu.memory_space<hbm>>
    %dma_start3A_45 = arith.constant 0 : i32
    %dma_start3A_46 = tpu.memref_slice %arg6[%dma_start3A_45] : memref<50192xf32, #tpu.memory_space<vmem>> -> memref<50176xf32, #tpu.memory_space<vmem>>
    %dma_start3A_47 = arith.constant 0 : i32
    %dma_start3A_48 = tpu.memref_slice %arg2[%min3A_40, %dma_start3A_47] : memref<1536x50176xf32, #tpu.memory_space<hbm>> -> memref<1x50176xf32, #tpu.memory_space<hbm>>
    %dma_start3A_49 = tpu.memref_squeeze %dma_start3A_48 : memref<1x50176xf32, #tpu.memory_space<hbm>> -> memref<50176xf32, #tpu.memory_space<hbm>>
    tpu.enqueue_dma source(%dma_start3A_49 : memref<50176xf32, #tpu.memory_space<hbm>>) target(%dma_start3A_46 : memref<50176xf32, #tpu.memory_space<vmem>>) target_semaphore(%arg10 : memref<!tpu.dma_semaphore, #tpu.memory_space<semaphore_mem>>)
    %parallel_loop3A = arith.constant 0 : i32
    %parallel_loop3A_50 = arith.constant 785 : i32
    %parallel_loop3A_51 = arith.constant 1 : i32
    scf.for %parallel_loop3A_80 = %parallel_loop3A to %parallel_loop3A_50 step %parallel_loop3A_51  : i32 {
      %parallel_loop3A_81 = arith.constant 50176 : i32
      %parallel_loop3A_82 = vector.broadcast %parallel_loop3A_81 : i32 to vector<16xi32>
      %parallel_loop3A_83 = arith.constant 16 : i32
      %parallel_loop3A_84 = arith.muli %parallel_loop3A_80, %parallel_loop3A_83 : i32
      %parallel_loop3A_85 = arith.index_cast %parallel_loop3A_84 : i32 to index
      %parallel_loop3A_86 = tpu.vector_load %arg7[%parallel_loop3A_85] {strides = array<i32>} : memref<12560xi32, #tpu.memory_space<vmem>>, vector<16xi32>,
      tpu.vector_store %arg7[%parallel_loop3A_85], %parallel_loop3A_82 {strides = array<i32>} : memref<12560xi32, #tpu.memory_space<vmem>>, vector<16xi32>,
    } {sc.loop_unroll_factor = 4 : i64, sc.parallel_access}
    %scan3A = arith.constant 0 : i32
    %scan3A_52 = arith.constant 0 : i32
    %scan3A_53 = arith.constant 112 : i32
    %scan3A_54 = arith.addi %scan3A_52, %scan3A_53 : i32
    %scan3A_55 = arith.constant 1 : i32
    %scan3A_56 = scf.for %scan3A_80 = %scan3A_52 to %scan3A_54 step %scan3A_55 iter_args(%scan3A_81 = %scan3A) -> (i32)  : i32 {
      %mul3A_82 = arith.constant 448 : i32
      %mul3A_83 = arith.muli %mul3A_82, %scan3A_80 : i32
      %add3A_84 = arith.constant 0 : i32
      %add3A_85 = arith.addi %mul3A_83, %add3A_84 : i32
      %mul3A_86 = arith.constant 2 : i32
      %mul3A_87 = vector.broadcast %mul3A_86 : i32 to vector<16xi32>
      %mul3A_88 = arith.muli %mul3A_87, %iota3A : vector<16xi32>
      %add3A_89 = vector.broadcast %add3A_85 : i32 to vector<16xi32>
      %add3A_90 = arith.addi %add3A_89, %mul3A_88 : vector<16xi32>
      %gather3A = tpu.vector_load_idx %arg5[%add3A_90] : memref<50192xf32, #tpu.memory_space<vmem>>[vector<16xi32>], vector<16xf32>,
      %bitcast3A = vector.bitcast %gather3A : vector<16xf32> to vector<16xi32>
      %ge3A = arith.constant 1 : i32
      %ge3A_91 = vector.broadcast %ge3A : i32 to vector<16xi32>
      %ge3A_92 = arith.cmpi sge, %bitcast3A, %ge3A_91 : vector<16xi32>
      %convert_element_type3A = arith.extui %ge3A_92 : vector<16xi1> to vector<16xi32>
      %broadcast_in_dim3A_93 = arith.constant true
      %broadcast_in_dim3A_94 = vector.broadcast %broadcast_in_dim3A_93 : i1 to vector<16xi1>
      %masked_cumsum3A = tpu.scan <sum>, %convert_element_type3A masked %broadcast_in_dim3A_94 : vector<16xi32>, vector<16xi1> -> vector<16xi32>
      %add3A_95 = vector.broadcast %scan3A_81 : i32 to vector<16xi32>
      %add3A_96 = arith.addi %add3A_95, %masked_cumsum3A : vector<16xi32>
      %sub3A_97 = arith.constant 1 : i32
      %sub3A_98 = vector.broadcast %sub3A_97 : i32 to vector<16xi32>
      %sub3A_99 = arith.subi %add3A_96, %sub3A_98 : vector<16xi32>
      tpu.vector_store_idx %arg7[%sub3A_99], %add3A_90 masked %ge3A_92 : memref<12560xi32, #tpu.memory_space<vmem>>[vector<16xi32>], vector<16xi32>, vector<16xi1>
      %slice3A = vector.extract_strided_slice %masked_cumsum3A {offsets = [15], sizes = [1], strides = [1]} : vector<16xi32> to vector<1xi32>
      %squeeze3A = vector.extract %slice3A[0] : i32 from vector<1xi32>
      %add3A_100 = arith.addi %scan3A_81, %squeeze3A : i32
      %mul3A_101 = arith.constant 448 : i32
      %mul3A_102 = arith.muli %mul3A_101, %scan3A_80 : i32
      %add3A_103 = arith.constant 32 : i32
      %add3A_104 = arith.addi %mul3A_102, %add3A_103 : i32
      %mul3A_105 = arith.constant 2 : i32
      %mul3A_106 = vector.broadcast %mul3A_105 : i32 to vector<16xi32>
      %mul3A_107 = arith.muli %mul3A_106, %iota3A : vector<16xi32>
      %add3A_108 = vector.broadcast %add3A_104 : i32 to vector<16xi32>
      %add3A_109 = arith.addi %add3A_108, %mul3A_107 : vector<16xi32>
      %gather3A_110 = tpu.vector_load_idx %arg5[%add3A_109] : memref<50192xf32, #tpu.memory_space<vmem>>[vector<16xi32>], vector<16xf32>,
      %bitcast3A_111 = vector.bitcast %gather3A_110 : vector<16xf32> to vector<16xi32>
      %ge3A_112 = arith.constant 1 : i32
      %ge3A_113 = vector.broadcast %ge3A_112 : i32 to vector<16xi32>
      %ge3A_114 = arith.cmpi sge, %bitcast3A_111, %ge3A_113 : vector<16xi32>
      %convert_element_type3A_115 = arith.extui %ge3A_114 : vector<16xi1> to vector<16xi32>
      %broadcast_in_dim3A_116 = arith.constant true
      %broadcast_in_dim3A_117 = vector.broadcast %broadcast_in_dim3A_116 : i1 to vector<16xi1>
      %masked_cumsum3A_118 = tpu.scan <sum>, %convert_element_type3A_115 masked %broadcast_in_dim3A_117 : vector<16xi32>, vector<16xi1> -> vector<16xi32>
      %add3A_119 = vector.broadcast %add3A_100 : i32 to vector<16xi32>
      %add3A_120 = arith.addi %add3A_119, %masked_cumsum3A_118 : vector<16xi32>
      %sub3A_121 = arith.constant 1 : i32
      %sub3A_122 = vector.broadcast %sub3A_121 : i32 to vector<16xi32>
      %sub3A_123 = arith.subi %add3A_120, %sub3A_122 : vector<16xi32>
      tpu.vector_store_idx %arg7[%sub3A_123], %add3A_109 masked %ge3A_114 : memref<12560xi32, #tpu.memory_space<vmem>>[vector<16xi32>], vector<16xi32>, vector<16xi1>
      %slice3A_124 = vector.extract_strided_slice %masked_cumsum3A_118 {offsets = [15], sizes = [1], strides = [1]} : vector<16xi32> to vector<1xi32>
      %squeeze3A_125 = vector.extract %slice3A_124[0] : i32 from vector<1xi32>
      %add3A_126 = arith.addi %add3A_100, %squeeze3A_125 : i32
      %mul3A_127 = arith.constant 448 : i32
      %mul3A_128 = arith.muli %mul3A_127, %scan3A_80 : i32
      %add3A_129 = arith.constant 64 : i32
      %add3A_130 = arith.addi %mul3A_128, %add3A_129 : i32
      %mul3A_131 = arith.constant 2 : i32
      %mul3A_132 = vector.broadcast %mul3A_131 : i32 to vector<16xi32>
      %mul3A_133 = arith.muli %mul3A_132, %iota3A : vector<16xi32>
      %add3A_134 = vector.broadcast %add3A_130 : i32 to vector<16xi32>
      %add3A_135 = arith.addi %add3A_134, %mul3A_133 : vector<16xi32>
      %gather3A_136 = tpu.vector_load_idx %arg5[%add3A_135] : memref<50192xf32, #tpu.memory_space<vmem>>[vector<16xi32>], vector<16xf32>,
      %bitcast3A_137 = vector.bitcast %gather3A_136 : vector<16xf32> to vector<16xi32>
      %ge3A_138 = arith.constant 1 : i32
      %ge3A_139 = vector.broadcast %ge3A_138 : i32 to vector<16xi32>
      %ge3A_140 = arith.cmpi sge, %bitcast3A_137, %ge3A_139 : vector<16xi32>
      %convert_element_type3A_141 = arith.extui %ge3A_140 : vector<16xi1> to vector<16xi32>
      %broadcast_in_dim3A_142 = arith.constant true
      %broadcast_in_dim3A_143 = vector.broadcast %broadcast_in_dim3A_142 : i1 to vector<16xi1>
      %masked_cumsum3A_144 = tpu.scan <sum>, %convert_element_type3A_141 masked %broadcast_in_dim3A_143 : vector<16xi32>, vector<16xi1> -> vector<16xi32>
      %add3A_145 = vector.broadcast %add3A_126 : i32 to vector<16xi32>
      %add3A_146 = arith.addi %add3A_145, %masked_cumsum3A_144 : vector<16xi32>
      %sub3A_147 = arith.constant 1 : i32
      %sub3A_148 = vector.broadcast %sub3A_147 : i32 to vector<16xi32>
      %sub3A_149 = arith.subi %add3A_146, %sub3A_148 : vector<16xi32>
      tpu.vector_store_idx %arg7[%sub3A_149], %add3A_135 masked %ge3A_140 : memref<12560xi32, #tpu.memory_space<vmem>>[vector<16xi32>], vector<16xi32>, vector<16xi1>
      %slice3A_150 = vector.extract_strided_slice %masked_cumsum3A_144 {offsets = [15], sizes = [1], strides = [1]} : vector<16xi32> to vector<1xi32>
      %squeeze3A_151 = vector.extract %slice3A_150[0] : i32 from vector<1xi32>
      %add3A_152 = arith.addi %add3A_126, %squeeze3A_151 : i32
      %mul3A_153 = arith.constant 448 : i32
      %mul3A_154 = arith.muli %mul3A_153, %scan3A_80 : i32
      %add3A_155 = arith.constant 96 : i32
      %add3A_156 = arith.addi %mul3A_154, %add3A_155 : i32
      %mul3A_157 = arith.constant 2 : i32
      %mul3A_158 = vector.broadcast %mul3A_157 : i32 to vector<16xi32>
      %mul3A_159 = arith.muli %mul3A_158, %iota3A : vector<16xi32>
      %add3A_160 = vector.broadcast %add3A_156 : i32 to vector<16xi32>
      %add3A_161 = arith.addi %add3A_160, %mul3A_159 : vector<16xi32>
      %gather3A_162 = tpu.vector_load_idx %arg5[%add3A_161] : memref<50192xf32, #tpu.memory_space<vmem>>[vector<16xi32>], vector<16xf32>,
      %bitcast3A_163 = vector.bitcast %gather3A_162 : vector<16xf32> to vector<16xi32>
      %ge3A_164 = arith.constant 1 : i32
      %ge3A_165 = vector.broadcast %ge3A_164 : i32 to vector<16xi32>
      %ge3A_166 = arith.cmpi sge, %bitcast3A_163, %ge3A_165 : vector<16xi32>
      %convert_element_type3A_167 = arith.extui %ge3A_166 : vector<16xi1> to vector<16xi32>
      %broadcast_in_dim3A_168 = arith.constant true
      %broadcast_in_dim3A_169 = vector.broadcast %broadcast_in_dim3A_168 : i1 to vector<16xi1>
      %masked_cumsum3A_170 = tpu.scan <sum>, %convert_element_type3A_167 masked %broadcast_in_dim3A_169 : vector<16xi32>, vector<16xi1> -> vector<16xi32>
      %add3A_171 = vector.broadcast %add3A_152 : i32 to vector<16xi32>
      %add3A_172 = arith.addi %add3A_171, %masked_cumsum3A_170 : vector<16xi32>
      %sub3A_173 = arith.constant 1 : i32
      %sub3A_174 = vector.broadcast %sub3A_173 : i32 to vector<16xi32>
      %sub3A_175 = arith.subi %add3A_172, %sub3A_174 : vector<16xi32>
      tpu.vector_store_idx %arg7[%sub3A_175], %add3A_161 masked %ge3A_166 : memref<12560xi32, #tpu.memory_space<vmem>>[vector<16xi32>], vector<16xi32>, vector<16xi1>
      %slice3A_176 = vector.extract_strided_slice %masked_cumsum3A_170 {offsets = [15], sizes = [1], strides = [1]} : vector<16xi32> to vector<1xi32>
      %squeeze3A_177 = vector.extract %slice3A_176[0] : i32 from vector<1xi32>
      %add3A_178 = arith.addi %add3A_152, %squeeze3A_177 : i32
      %mul3A_179 = arith.constant 448 : i32
      %mul3A_180 = arith.muli %mul3A_179, %scan3A_80 : i32
      %add3A_181 = arith.constant 128 : i32
      %add3A_182 = arith.addi %mul3A_180, %add3A_181 : i32
      %mul3A_183 = arith.constant 2 : i32
      %mul3A_184 = vector.broadcast %mul3A_183 : i32 to vector<16xi32>
      %mul3A_185 = arith.muli %mul3A_184, %iota3A : vector<16xi32>
      %add3A_186 = vector.broadcast %add3A_182 : i32 to vector<16xi32>
      %add3A_187 = arith.addi %add3A_186, %mul3A_185 : vector<16xi32>
      %gather3A_188 = tpu.vector_load_idx %arg5[%add3A_187] : memref<50192xf32, #tpu.memory_space<vmem>>[vector<16xi32>], vector<16xf32>,
      %bitcast3A_189 = vector.bitcast %gather3A_188 : vector<16xf32> to vector<16xi32>
      %ge3A_190 = arith.constant 1 : i32
      %ge3A_191 = vector.broadcast %ge3A_190 : i32 to vector<16xi32>
      %ge3A_192 = arith.cmpi sge, %bitcast3A_189, %ge3A_191 : vector<16xi32>
      %convert_element_type3A_193 = arith.extui %ge3A_192 : vector<16xi1> to vector<16xi32>
      %broadcast_in_dim3A_194 = arith.constant true
      %broadcast_in_dim3A_195 = vector.broadcast %broadcast_in_dim3A_194 : i1 to vector<16xi1>
      %masked_cumsum3A_196 = tpu.scan <sum>, %convert_element_type3A_193 masked %broadcast_in_dim3A_195 : vector<16xi32>, vector<16xi1> -> vector<16xi32>
      %add3A_197 = vector.broadcast %add3A_178 : i32 to vector<16xi32>
      %add3A_198 = arith.addi %add3A_197, %masked_cumsum3A_196 : vector<16xi32>
      %sub3A_199 = arith.constant 1 : i32
      %sub3A_200 = vector.broadcast %sub3A_199 : i32 to vector<16xi32>
      %sub3A_201 = arith.subi %add3A_198, %sub3A_200 : vector<16xi32>
      tpu.vector_store_idx %arg7[%sub3A_201], %add3A_187 masked %ge3A_192 : memref<12560xi32, #tpu.memory_space<vmem>>[vector<16xi32>], vector<16xi32>, vector<16xi1>
      %slice3A_202 = vector.extract_strided_slice %masked_cumsum3A_196 {offsets = [15], sizes = [1], strides = [1]} : vector<16xi32> to vector<1xi32>
      %squeeze3A_203 = vector.extract %slice3A_202[0] : i32 from vector<1xi32>
      %add3A_204 = arith.addi %add3A_178, %squeeze3A_203 : i32
      %mul3A_205 = arith.constant 448 : i32
      %mul3A_206 = arith.muli %mul3A_205, %scan3A_80 : i32
      %add3A_207 = arith.constant 160 : i32
      %add3A_208 = arith.addi %mul3A_206, %add3A_207 : i32
      %mul3A_209 = arith.constant 2 : i32
      %mul3A_210 = vector.broadcast %mul3A_209 : i32 to vector<16xi32>
      %mul3A_211 = arith.muli %mul3A_210, %iota3A : vector<16xi32>
      %add3A_212 = vector.broadcast %add3A_208 : i32 to vector<16xi32>
      %add3A_213 = arith.addi %add3A_212, %mul3A_211 : vector<16xi32>
      %gather3A_214 = tpu.vector_load_idx %arg5[%add3A_213] : memref<50192xf32, #tpu.memory_space<vmem>>[vector<16xi32>], vector<16xf32>,
      %bitcast3A_215 = vector.bitcast %gather3A_214 : vector<16xf32> to vector<16xi32>
      %ge3A_216 = arith.constant 1 : i32
      %ge3A_217 = vector.broadcast %ge3A_216 : i32 to vector<16xi32>
      %ge3A_218 = arith.cmpi sge, %bitcast3A_215, %ge3A_217 : vector<16xi32>
      %convert_element_type3A_219 = arith.extui %ge3A_218 : vector<16xi1> to vector<16xi32>
      %broadcast_in_dim3A_220 = arith.constant true
      %broadcast_in_dim3A_221 = vector.broadcast %broadcast_in_dim3A_220 : i1 to vector<16xi1>
      %masked_cumsum3A_222 = tpu.scan <sum>, %convert_element_type3A_219 masked %broadcast_in_dim3A_221 : vector<16xi32>, vector<16xi1> -> vector<16xi32>
      %add3A_223 = vector.broadcast %add3A_204 : i32 to vector<16xi32>
      %add3A_224 = arith.addi %add3A_223, %masked_cumsum3A_222 : vector<16xi32>
      %sub3A_225 = arith.constant 1 : i32
      %sub3A_226 = vector.broadcast %sub3A_225 : i32 to vector<16xi32>
      %sub3A_227 = arith.subi %add3A_224, %sub3A_226 : vector<16xi32>
      tpu.vector_store_idx %arg7[%sub3A_227], %add3A_213 masked %ge3A_218 : memref<12560xi32, #tpu.memory_space<vmem>>[vector<16xi32>], vector<16xi32>, vector<16xi1>
      %slice3A_228 = vector.extract_strided_slice %masked_cumsum3A_222 {offsets = [15], sizes = [1], strides = [1]} : vector<16xi32> to vector<1xi32>
      %squeeze3A_229 = vector.extract %slice3A_228[0] : i32 from vector<1xi32>
      %add3A_230 = arith.addi %add3A_204, %squeeze3A_229 : i32
      %mul3A_231 = arith.constant 448 : i32
      %mul3A_232 = arith.muli %mul3A_231, %scan3A_80 : i32
      %add3A_233 = arith.constant 192 : i32
      %add3A_234 = arith.addi %mul3A_232, %add3A_233 : i32
      %mul3A_235 = arith.constant 2 : i32
      %mul3A_236 = vector.broadcast %mul3A_235 : i32 to vector<16xi32>
      %mul3A_237 = arith.muli %mul3A_236, %iota3A : vector<16xi32>
      %add3A_238 = vector.broadcast %add3A_234 : i32 to vector<16xi32>
      %add3A_239 = arith.addi %add3A_238, %mul3A_237 : vector<16xi32>
      %gather3A_240 = tpu.vector_load_idx %arg5[%add3A_239] : memref<50192xf32, #tpu.memory_space<vmem>>[vector<16xi32>], vector<16xf32>,
      %bitcast3A_241 = vector.bitcast %gather3A_240 : vector<16xf32> to vector<16xi32>
      %ge3A_242 = arith.constant 1 : i32
      %ge3A_243 = vector.broadcast %ge3A_242 : i32 to vector<16xi32>
      %ge3A_244 = arith.cmpi sge, %bitcast3A_241, %ge3A_243 : vector<16xi32>
      %convert_element_type3A_245 = arith.extui %ge3A_244 : vector<16xi1> to vector<16xi32>
      %broadcast_in_dim3A_246 = arith.constant true
      %broadcast_in_dim3A_247 = vector.broadcast %broadcast_in_dim3A_246 : i1 to vector<16xi1>
      %masked_cumsum3A_248 = tpu.scan <sum>, %convert_element_type3A_245 masked %broadcast_in_dim3A_247 : vector<16xi32>, vector<16xi1> -> vector<16xi32>
      %add3A_249 = vector.broadcast %add3A_230 : i32 to vector<16xi32>
      %add3A_250 = arith.addi %add3A_249, %masked_cumsum3A_248 : vector<16xi32>
      %sub3A_251 = arith.constant 1 : i32
      %sub3A_252 = vector.broadcast %sub3A_251 : i32 to vector<16xi32>
      %sub3A_253 = arith.subi %add3A_250, %sub3A_252 : vector<16xi32>
      tpu.vector_store_idx %arg7[%sub3A_253], %add3A_239 masked %ge3A_244 : memref<12560xi32, #tpu.memory_space<vmem>>[vector<16xi32>], vector<16xi32>, vector<16xi1>
      %slice3A_254 = vector.extract_strided_slice %masked_cumsum3A_248 {offsets = [15], sizes = [1], strides = [1]} : vector<16xi32> to vector<1xi32>
      %squeeze3A_255 = vector.extract %slice3A_254[0] : i32 from vector<1xi32>
      %add3A_256 = arith.addi %add3A_230, %squeeze3A_255 : i32
      scf.yield %add3A_256 : i32
    }
    %scan3A_57 = arith.constant 112 : i32
    %scan3A_58 = arith.constant 0 : i32
    %scan3A_59 = arith.constant 0 : i32
    %scan3A_60 = arith.constant 24 : i32
    %scan3A_61 = arith.addi %scan3A_59, %scan3A_60 : i32
    %scan3A_62 = arith.constant 1 : i32
    scf.for %scan3A_80 = %scan3A_59 to %scan3A_61 step %scan3A_62  : i32 {
      %dma_wait3A_81 = arith.constant 0 : i32
      %dma_wait3A_82 = arith.constant 0 : i32
      %dma_wait3A_83 = tpu.memref_slice %arg6[%dma_wait3A_82] : memref<50192xf32, #tpu.memory_space<vmem>> -> memref<50176xf32, #tpu.memory_space<vmem>>
      %dma_wait3A_84 = arith.constant 0 : i32
      %dma_wait3A_85 = tpu.memref_slice %arg2[%dma_wait3A_81, %dma_wait3A_84] : memref<1536x50176xf32, #tpu.memory_space<hbm>> -> memref<1x50176xf32, #tpu.memory_space<hbm>>
      %dma_wait3A_86 = tpu.memref_squeeze %dma_wait3A_85 : memref<1x50176xf32, #tpu.memory_space<hbm>> -> memref<50176xf32, #tpu.memory_space<hbm>>
      %dma_wait3A_87 = arith.constant 0 : i32
      %dma_wait3A_88 = tpu.memref_slice %arg6[%dma_wait3A_87] : memref<50192xf32, #tpu.memory_space<vmem>> -> memref<50176xf32, #tpu.memory_space<vmem>>
      %dma_wait3A_89 = arith.constant 0 : i32
      %dma_wait3A_90 = tpu.memref_slice %arg2[%dma_wait3A_81, %dma_wait3A_89] : memref<1536x50176xf32, #tpu.memory_space<hbm>> -> memref<1x50176xf32, #tpu.memory_space<hbm>>
      %dma_wait3A_91 = tpu.memref_squeeze %dma_wait3A_90 : memref<1x50176xf32, #tpu.memory_space<hbm>> -> memref<50176xf32, #tpu.memory_space<hbm>>
      tpu.wait_dma2 semaphore(%arg10 : memref<!tpu.dma_semaphore, #tpu.memory_space<semaphore_mem>>) src(%dma_wait3A_91 : memref<50176xf32, #tpu.memory_space<hbm>>) dst(%dma_wait3A_88 : memref<50176xf32, #tpu.memory_space<vmem>>)
      %mul3A_92 = arith.constant 2 : i32
      %mul3A_93 = arith.muli %mul3A_92, %scan3A_80 : i32
      %add3A_94 = arith.addi %add3A_35, %mul3A_93 : i32
      %add3A_95 = arith.constant 1 : i32
      %add3A_96 = arith.addi %add3A_94, %add3A_95 : i32
      %min3A_97 = arith.constant 1535 : i32
      %min3A_98 = arith.minsi %add3A_96, %min3A_97 : i32
      %dma_start3A_99 = arith.constant 0 : i32
      %dma_start3A_100 = tpu.memref_slice %arg5[%dma_start3A_99] : memref<50192xf32, #tpu.memory_space<vmem>> -> memref<50176xf32, #tpu.memory_space<vmem>>
      %dma_start3A_101 = arith.constant 0 : i32
      %dma_start3A_102 = tpu.memref_slice %arg2[%min3A_98, %dma_start3A_101] : memref<1536x50176xf32, #tpu.memory_space<hbm>> -> memref<1x50176xf32, #tpu.memory_space<hbm>>
      %dma_start3A_103 = tpu.memref_squeeze %dma_start3A_102 : memref<1x50176xf32, #tpu.memory_space<hbm>> -> memref<50176xf32, #tpu.memory_space<hbm>>
      %dma_start3A_104 = arith.constant 0 : i32
      %dma_start3A_105 = tpu.memref_slice %arg5[%dma_start3A_104] : memref<50192xf32, #tpu.memory_space<vmem>> -> memref<50176xf32, #tpu.memory_space<vmem>>
      %dma_start3A_106 = arith.constant 0 : i32
      %dma_start3A_107 = tpu.memref_slice %arg2[%min3A_98, %dma_start3A_106] : memref<1536x50176xf32, #tpu.memory_space<hbm>> -> memref<1x50176xf32, #tpu.memory_space<hbm>>
      %dma_start3A_108 = tpu.memref_squeeze %dma_start3A_107 : memref<1x50176xf32, #tpu.memory_space<hbm>> -> memref<50176xf32, #tpu.memory_space<hbm>>
      tpu.enqueue_dma source(%dma_start3A_108 : memref<50176xf32, #tpu.memory_space<hbm>>) target(%dma_start3A_105 : memref<50176xf32, #tpu.memory_space<vmem>>) target_semaphore(%arg9 : memref<!tpu.dma_semaphore, #tpu.memory_space<semaphore_mem>>)
      %gt3A = arith.constant 0 : i32
      %gt3A_109 = arith.cmpi sgt, %scan3A_80, %gt3A : i32
      %convert_element_type3A = arith.extui %gt3A_109 : i1 to i32
      %cond3A = arith.constant 0 : i32
      %cond3A_110 = arith.cmpi ne, %convert_element_type3A, %cond3A : i32
      scf.if %cond3A_110 {
        %dma_wait3A_171 = arith.constant 0 : i32
        %dma_wait3A_172 = tpu.memref_slice %arg4[%select_n3A, %mul3A_32, %dma_wait3A_171] : memref<8x192x12544xf32, #tpu.memory_space<hbm>> -> memref<1x1x12544xf32, #tpu.memory_space<hbm>>
        %dma_wait3A_173 = tpu.memref_squeeze %dma_wait3A_172 : memref<1x1x12544xf32, #tpu.memory_space<hbm>> -> memref<12544xf32, #tpu.memory_space<hbm>>
        %dma_wait3A_174 = arith.constant 0 : i32
        %dma_wait3A_175 = tpu.memref_slice %arg4[%select_n3A, %mul3A_32, %dma_wait3A_174] : memref<8x192x12544xf32, #tpu.memory_space<hbm>> -> memref<1x1x12544xf32, #tpu.memory_space<hbm>>
        %dma_wait3A_176 = tpu.memref_squeeze %dma_wait3A_175 : memref<1x1x12544xf32, #tpu.memory_space<hbm>> -> memref<12544xf32, #tpu.memory_space<hbm>>
        tpu.wait_dma2 semaphore(%arg11 : memref<!tpu.dma_semaphore, #tpu.memory_space<semaphore_mem>>) src(%arg8 : memref<12544xf32, #tpu.memory_space<vmem>>) dst(%dma_wait3A_176 : memref<12544xf32, #tpu.memory_space<hbm>>)
      } else {
      }
      %parallel_loop3A_111 = arith.constant 0 : i32
      %parallel_loop3A_112 = arith.constant 784 : i32
      %parallel_loop3A_113 = arith.constant 1 : i32
      scf.for %parallel_loop3A_171 = %parallel_loop3A_111 to %parallel_loop3A_112 step %parallel_loop3A_113  : i32 {
        %parallel_loop3A_172 = arith.constant 16 : i32
        %parallel_loop3A_173 = arith.muli %parallel_loop3A_171, %parallel_loop3A_172 : i32
        %parallel_loop3A_174 = arith.index_cast %parallel_loop3A_173 : i32 to index
        %parallel_loop3A_175 = tpu.vector_load %arg7[%parallel_loop3A_174] {strides = array<i32>} : memref<12560xi32, #tpu.memory_space<vmem>>, vector<16xi32>,
        %parallel_loop3A_176 = tpu.vector_load_idx %arg6[%parallel_loop3A_175] : memref<50192xf32, #tpu.memory_space<vmem>>[vector<16xi32>], vector<16xf32>,
        %parallel_loop3A_177 = arith.index_cast %parallel_loop3A_173 : i32 to index
        %parallel_loop3A_178 = tpu.vector_load %arg8[%parallel_loop3A_177] {strides = array<i32>} : memref<12544xf32, #tpu.memory_space<vmem>>, vector<16xf32>,
        tpu.vector_store %arg8[%parallel_loop3A_177], %parallel_loop3A_176 {strides = array<i32>} : memref<12544xf32, #tpu.memory_space<vmem>>, vector<16xf32>,
      } {sc.loop_unroll_factor = 8 : i64, sc.parallel_access}
      %mul3A_114 = arith.constant 2 : i32
      %mul3A_115 = arith.muli %mul3A_114, %scan3A_80 : i32
      %add3A_116 = arith.addi %mul3A_32, %mul3A_115 : i32
      %dma_start3A_117 = arith.constant 0 : i32
      %dma_start3A_118 = tpu.memref_slice %arg4[%select_n3A, %add3A_116, %dma_start3A_117] : memref<8x192x12544xf32, #tpu.memory_space<hbm>> -> memref<1x1x12544xf32, #tpu.memory_space<hbm>>
      %dma_start3A_119 = tpu.memref_squeeze %dma_start3A_118 : memref<1x1x12544xf32, #tpu.memory_space<hbm>> -> memref<12544xf32, #tpu.memory_space<hbm>>
      %dma_start3A_120 = arith.constant 0 : i32
      %dma_start3A_121 = tpu.memref_slice %arg4[%select_n3A, %add3A_116, %dma_start3A_120] : memref<8x192x12544xf32, #tpu.memory_space<hbm>> -> memref<1x1x12544xf32, #tpu.memory_space<hbm>>
      %dma_start3A_122 = tpu.memref_squeeze %dma_start3A_121 : memref<1x1x12544xf32, #tpu.memory_space<hbm>> -> memref<12544xf32, #tpu.memory_space<hbm>>
      tpu.enqueue_dma source(%arg8 : memref<12544xf32, #tpu.memory_space<vmem>>) target(%dma_start3A_122 : memref<12544xf32, #tpu.memory_space<hbm>>) target_semaphore(%arg11 : memref<!tpu.dma_semaphore, #tpu.memory_space<semaphore_mem>>)
      %dma_wait3A_123 = arith.constant 0 : i32
      %dma_wait3A_124 = arith.constant 0 : i32
      %dma_wait3A_125 = tpu.memref_slice %arg5[%dma_wait3A_124] : memref<50192xf32, #tpu.memory_space<vmem>> -> memref<50176xf32, #tpu.memory_space<vmem>>
      %dma_wait3A_126 = arith.constant 0 : i32
      %dma_wait3A_127 = tpu.memref_slice %arg2[%dma_wait3A_123, %dma_wait3A_126] : memref<1536x50176xf32, #tpu.memory_space<hbm>> -> memref<1x50176xf32, #tpu.memory_space<hbm>>
      %dma_wait3A_128 = tpu.memref_squeeze %dma_wait3A_127 : memref<1x50176xf32, #tpu.memory_space<hbm>> -> memref<50176xf32, #tpu.memory_space<hbm>>
      %dma_wait3A_129 = arith.constant 0 : i32
      %dma_wait3A_130 = tpu.memref_slice %arg5[%dma_wait3A_129] : memref<50192xf32, #tpu.memory_space<vmem>> -> memref<50176xf32, #tpu.memory_space<vmem>>
      %dma_wait3A_131 = arith.constant 0 : i32
      %dma_wait3A_132 = tpu.memref_slice %arg2[%dma_wait3A_123, %dma_wait3A_131] : memref<1536x50176xf32, #tpu.memory_space<hbm>> -> memref<1x50176xf32, #tpu.memory_space<hbm>>
      %dma_wait3A_133 = tpu.memref_squeeze %dma_wait3A_132 : memref<1x50176xf32, #tpu.memory_space<hbm>> -> memref<50176xf32, #tpu.memory_space<hbm>>
      tpu.wait_dma2 semaphore(%arg9 : memref<!tpu.dma_semaphore, #tpu.memory_space<semaphore_mem>>) src(%dma_wait3A_133 : memref<50176xf32, #tpu.memory_space<hbm>>) dst(%dma_wait3A_130 : memref<50176xf32, #tpu.memory_space<vmem>>)
      %mul3A_134 = arith.constant 2 : i32
      %mul3A_135 = arith.muli %mul3A_134, %scan3A_80 : i32
      %add3A_136 = arith.addi %add3A_35, %mul3A_135 : i32
      %add3A_137 = arith.constant 2 : i32
      %add3A_138 = arith.addi %add3A_136, %add3A_137 : i32
      %min3A_139 = arith.constant 1535 : i32
      %min3A_140 = arith.minsi %add3A_138, %min3A_139 : i32
      %dma_start3A_141 = arith.constant 0 : i32
      %dma_start3A_142 = tpu.memref_slice %arg6[%dma_start3A_141] : memref<50192xf32, #tpu.memory_space<vmem>> -> memref<50176xf32, #tpu.memory_space<vmem>>
      %dma_start3A_143 = arith.constant 0 : i32
      %dma_start3A_144 = tpu.memref_slice %arg2[%min3A_140, %dma_start3A_143] : memref<1536x50176xf32, #tpu.memory_space<hbm>> -> memref<1x50176xf32, #tpu.memory_space<hbm>>
      %dma_start3A_145 = tpu.memref_squeeze %dma_start3A_144 : memref<1x50176xf32, #tpu.memory_space<hbm>> -> memref<50176xf32, #tpu.memory_space<hbm>>
      %dma_start3A_146 = arith.constant 0 : i32
      %dma_start3A_147 = tpu.memref_slice %arg6[%dma_start3A_146] : memref<50192xf32, #tpu.memory_space<vmem>> -> memref<50176xf32, #tpu.memory_space<vmem>>
      %dma_start3A_148 = arith.constant 0 : i32
      %dma_start3A_149 = tpu.memref_slice %arg2[%min3A_140, %dma_start3A_148] : memref<1536x50176xf32, #tpu.memory_space<hbm>> -> memref<1x50176xf32, #tpu.memory_space<hbm>>
      %dma_start3A_150 = tpu.memref_squeeze %dma_start3A_149 : memref<1x50176xf32, #tpu.memory_space<hbm>> -> memref<50176xf32, #tpu.memory_space<hbm>>
      tpu.enqueue_dma source(%dma_start3A_150 : memref<50176xf32, #tpu.memory_space<hbm>>) target(%dma_start3A_147 : memref<50176xf32, #tpu.memory_space<vmem>>) target_semaphore(%arg10 : memref<!tpu.dma_semaphore, #tpu.memory_space<semaphore_mem>>)
      %dma_wait3A_151 = arith.constant 0 : i32
      %dma_wait3A_152 = tpu.memref_slice %arg4[%select_n3A, %mul3A_32, %dma_wait3A_151] : memref<8x192x12544xf32, #tpu.memory_space<hbm>> -> memref<1x1x12544xf32, #tpu.memory_space<hbm>>
      %dma_wait3A_153 = tpu.memref_squeeze %dma_wait3A_152 : memref<1x1x12544xf32, #tpu.memory_space<hbm>> -> memref<12544xf32, #tpu.memory_space<hbm>>
      %dma_wait3A_154 = arith.constant 0 : i32
      %dma_wait3A_155 = tpu.memref_slice %arg4[%select_n3A, %mul3A_32, %dma_wait3A_154] : memref<8x192x12544xf32, #tpu.memory_space<hbm>> -> memref<1x1x12544xf32, #tpu.memory_space<hbm>>
      %dma_wait3A_156 = tpu.memref_squeeze %dma_wait3A_155 : memref<1x1x12544xf32, #tpu.memory_space<hbm>> -> memref<12544xf32, #tpu.memory_space<hbm>>
      tpu.wait_dma2 semaphore(%arg11 : memref<!tpu.dma_semaphore, #tpu.memory_space<semaphore_mem>>) src(%arg8 : memref<12544xf32, #tpu.memory_space<vmem>>) dst(%dma_wait3A_156 : memref<12544xf32, #tpu.memory_space<hbm>>)
      %parallel_loop3A_157 = arith.constant 0 : i32
      %parallel_loop3A_158 = arith.constant 784 : i32
      %parallel_loop3A_159 = arith.constant 1 : i32
      scf.for %parallel_loop3A_171 = %parallel_loop3A_157 to %parallel_loop3A_158 step %parallel_loop3A_159  : i32 {
        %parallel_loop3A_172 = arith.constant 16 : i32
        %parallel_loop3A_173 = arith.muli %parallel_loop3A_171, %parallel_loop3A_172 : i32
        %parallel_loop3A_174 = arith.index_cast %parallel_loop3A_173 : i32 to index
        %parallel_loop3A_175 = tpu.vector_load %arg7[%parallel_loop3A_174] {strides = array<i32>} : memref<12560xi32, #tpu.memory_space<vmem>>, vector<16xi32>,
        %parallel_loop3A_176 = tpu.vector_load_idx %arg5[%parallel_loop3A_175] : memref<50192xf32, #tpu.memory_space<vmem>>[vector<16xi32>], vector<16xf32>,
        %parallel_loop3A_177 = arith.index_cast %parallel_loop3A_173 : i32 to index
        %parallel_loop3A_178 = tpu.vector_load %arg8[%parallel_loop3A_177] {strides = array<i32>} : memref<12544xf32, #tpu.memory_space<vmem>>, vector<16xf32>,
        tpu.vector_store %arg8[%parallel_loop3A_177], %parallel_loop3A_176 {strides = array<i32>} : memref<12544xf32, #tpu.memory_space<vmem>>, vector<16xf32>,
      } {sc.loop_unroll_factor = 8 : i64, sc.parallel_access}
      %mul3A_160 = arith.constant 2 : i32
      %mul3A_161 = arith.muli %mul3A_160, %scan3A_80 : i32
      %add3A_162 = arith.addi %mul3A_32, %mul3A_161 : i32
      %add3A_163 = arith.constant 1 : i32
      %add3A_164 = arith.addi %add3A_162, %add3A_163 : i32
      %dma_start3A_165 = arith.constant 0 : i32
      %dma_start3A_166 = tpu.memref_slice %arg4[%select_n3A, %add3A_164, %dma_start3A_165] : memref<8x192x12544xf32, #tpu.memory_space<hbm>> -> memref<1x1x12544xf32, #tpu.memory_space<hbm>>
      %dma_start3A_167 = tpu.memref_squeeze %dma_start3A_166 : memref<1x1x12544xf32, #tpu.memory_space<hbm>> -> memref<12544xf32, #tpu.memory_space<hbm>>
      %dma_start3A_168 = arith.constant 0 : i32
      %dma_start3A_169 = tpu.memref_slice %arg4[%select_n3A, %add3A_164, %dma_start3A_168] : memref<8x192x12544xf32, #tpu.memory_space<hbm>> -> memref<1x1x12544xf32, #tpu.memory_space<hbm>>
      %dma_start3A_170 = tpu.memref_squeeze %dma_start3A_169 : memref<1x1x12544xf32, #tpu.memory_space<hbm>> -> memref<12544xf32, #tpu.memory_space<hbm>>
      tpu.enqueue_dma source(%arg8 : memref<12544xf32, #tpu.memory_space<vmem>>) target(%dma_start3A_170 : memref<12544xf32, #tpu.memory_space<hbm>>) target_semaphore(%arg11 : memref<!tpu.dma_semaphore, #tpu.memory_space<semaphore_mem>>)
    }
    %scan3A_63 = arith.constant 24 : i32
    %dma_wait3A = arith.constant 0 : i32
    %dma_wait3A_64 = arith.constant 0 : i32
    %dma_wait3A_65 = tpu.memref_slice %arg6[%dma_wait3A_64] : memref<50192xf32, #tpu.memory_space<vmem>> -> memref<50176xf32, #tpu.memory_space<vmem>>
    %dma_wait3A_66 = arith.constant 0 : i32
    %dma_wait3A_67 = tpu.memref_slice %arg2[%dma_wait3A, %dma_wait3A_66] : memref<1536x50176xf32, #tpu.memory_space<hbm>> -> memref<1x50176xf32, #tpu.memory_space<hbm>>
    %dma_wait3A_68 = tpu.memref_squeeze %dma_wait3A_67 : memref<1x50176xf32, #tpu.memory_space<hbm>> -> memref<50176xf32, #tpu.memory_space<hbm>>
    %dma_wait3A_69 = arith.constant 0 : i32
    %dma_wait3A_70 = tpu.memref_slice %arg6[%dma_wait3A_69] : memref<50192xf32, #tpu.memory_space<vmem>> -> memref<50176xf32, #tpu.memory_space<vmem>>
    %dma_wait3A_71 = arith.constant 0 : i32
    %dma_wait3A_72 = tpu.memref_slice %arg2[%dma_wait3A, %dma_wait3A_71] : memref<1536x50176xf32, #tpu.memory_space<hbm>> -> memref<1x50176xf32, #tpu.memory_space<hbm>>
    %dma_wait3A_73 = tpu.memref_squeeze %dma_wait3A_72 : memref<1x50176xf32, #tpu.memory_space<hbm>> -> memref<50176xf32, #tpu.memory_space<hbm>>
    tpu.wait_dma2 semaphore(%arg10 : memref<!tpu.dma_semaphore, #tpu.memory_space<semaphore_mem>>) src(%dma_wait3A_73 : memref<50176xf32, #tpu.memory_space<hbm>>) dst(%dma_wait3A_70 : memref<50176xf32, #tpu.memory_space<vmem>>)
    %dma_wait3A_74 = arith.constant 0 : i32
    %dma_wait3A_75 = tpu.memref_slice %arg4[%select_n3A, %mul3A_32, %dma_wait3A_74] : memref<8x192x12544xf32, #tpu.memory_space<hbm>> -> memref<1x1x12544xf32, #tpu.memory_space<hbm>>
    %dma_wait3A_76 = tpu.memref_squeeze %dma_wait3A_75 : memref<1x1x12544xf32, #tpu.memory_space<hbm>> -> memref<12544xf32, #tpu.memory_space<hbm>>
    %dma_wait3A_77 = arith.constant 0 : i32
    %dma_wait3A_78 = tpu.memref_slice %arg4[%select_n3A, %mul3A_32, %dma_wait3A_77] : memref<8x192x12544xf32, #tpu.memory_space<hbm>> -> memref<1x1x12544xf32, #tpu.memory_space<hbm>>
    %dma_wait3A_79 = tpu.memref_squeeze %dma_wait3A_78 : memref<1x1x12544xf32, #tpu.memory_space<hbm>> -> memref<12544xf32, #tpu.memory_space<hbm>>
    tpu.wait_dma2 semaphore(%arg11 : memref<!tpu.dma_semaphore, #tpu.memory_space<semaphore_mem>>) src(%arg8 : memref<12544xf32, #tpu.memory_space<vmem>>) dst(%dma_wait3A_79 : memref<12544xf32, #tpu.memory_space<hbm>>)
    return
  }
}

</mosaic_0001>

<sc_bundles>
// kernel: kernel.3.cloned.1.call-start
scs
__scs_entry_jumppad:
0x0: {  	(pc) =	sbr.rel $0x88, $3  }
0x1: {  	(tag) =	ssettag $0x0;
	lr =	simm.s32 $0x1  }
0x2: {  	[smem:$0x3F9F] =	sst lr;
	_ =	strace $0xD0000000  }
0x3: {  	_ = 	snop  }
0x4: {  	_ = 	snop  }
0x5: {  	_ = 	snop  }
0x6: {  	_ = 	snop  }
0x7: {  	_ = 	snop  }
__scs_overlays_trampoline_lowered:
0x8: {  	[smem:$0x3FAE] =	sst s0  }
0x9: {  	[smem:$0x3FAF] =	sst s1  }
0xa: {  	[smem:$0x3FB0] =	sst s2  }
0xb: {  	[smem:$0x3FB1] =	sst s3  }
0xc: {  	[smem:$0x3FB2] =	sst s4  }
0xd: {  	[smem:$0x3FB3] =	sst s5  }
0xe: {  	[smem:$0x3FB4] =	sst s6  }
0xf: {  	[smem:$0x3FB5] =	sst s7  }
0x10: {  	[smem:$0x3FB6] =	sst s8  }
0x11: {  	[smem:$0x3FB7] =	sst s9;
	s0 =	simm.s32 @!p0 $0x0  }
0x12: {  	s1 =	sld [smem:$0x3F9D];
	s0 =	simm.s32 @p0 $0x1  }
0x13: {  	[smem:$0x3FB8] =	sst s0;
	s0 =	simm.s32 @!p1 $0x0  }
0x14: {  	s2 =	sld [smem:$0x3F9C];
	s0 =	simm.s32 @p1 $0x1  }
0x15: {  	[smem:$0x3FB9] =	sst s0;
	s0 =	simm.s32 @!p2 $0x0  }
0x16: {  	s3 =	sld [smem:$0x3FDB];
	s0 =	simm.s32 @p2 $0x1  }
0x17: {  	s4 =	simm.s32 $0x1BF5;
	[smem:$0x3FBB] =	sst s0  }
0x18: {  	s0 =	sld [smem:$0x3F9E];
	_ =	swait.ge [sflag:s4], $0x0  }
0x19: {  	s7 =	sld [smem:$0x3F9F]  }
0x1a: {  	s8 =	sadd.s32 $0xFFFFE003, lr  }
0x1b: {  	s9 =	sadd.s32 $0xFFFFFEF7, lr;
	s5 =	simm.s32 $0xFFFFFFFF;
	p2 =	slt.u32 s8, $0xFFFFF086  }
0x1c: {  	p1 =	slt.u32 s9, $0xF7A;
	s5 =	simm.s32 @!p2 $0x0  }
0x1d: {  	s5 =	simm.s32 @p1 $0x1;
	p0 =	seq.s32 s7, s2  }
0x1e: {  	s7 =	smul.u32 @!p0 $0xF7A, s2;
	p2 =	seq.s32 @!p0 s5, $0x0  }
0x1f: {  	s9 =	smul.u32 $0xF7A, s1;
	s8 =	simm.s32 @!p0 $0x1BF5;
	p2 =	por !p2, p0  }
0x20: {  	[sflag:s8] =	ssyncset.s32 @!p0 $0xFFFFF086;
	s6 =	sadd.s32 @!p0 s3, s7;
	s7 =	simm.s32 @!p0 $0x108  }
0x21: {  	s3 =	sadd.s32 s3, s9;
	s6 =	sadd.s32 @!p0 $0x88, s6;
	s7 =	simm.s32 @p2 $0x1082  }
0x22: {  	[simem:s7], [sflag:s8] =	dma.local @!p0 [hbm:s6], $0xF7A  }
0x23: {  	s9 =	sor.u32 $0xD0000000, s2;
	s6 =	simm.s32 $0x108;
	_ =	swait.ge @!p0 [sflag:s8], $0x0  }
0x24: {  	s3 =	sadd.s32 $0x88, s3;
	s6 =	simm.s32 @!p1 $0x1082;
	[sflag:s4] =	ssyncset.s32 $0xFFFFF086  }
0x25: {  	[simem:s6], [sflag:s4] =	dma.local [hbm:s3], $0xF7A  }
0x26: {  	[smem:$0x3F9F] =	sst s1;
	(tag) =	ssettag s2;
	_ =	strace s9  }
0x27: {  	s1 =	sld [smem:$0x3FAF]  }
0x28: {  	s2 =	sld [smem:$0x3FB0]  }
0x29: {  	s4 =	sld [smem:$0x3FB2]  }
0x2a: {  	p0 =	seq.s32 s5, $0x0;
	s5 =	sld [smem:$0x3FB3]  }
0x2b: {  	s6 =	sld [smem:$0x3FB4]  }
0x2c: {  	s7 =	sld [smem:$0x3FB5]  }
0x2d: {  	s3 =	simm.s32 $0x108;
	s8 =	sld [smem:$0x3FB6]  }
0x2e: {  	s3 =	simm.s32 @!p0 $0x1082;
	s9 =	sld [smem:$0x3FB7]  }
0x2f: {  	lr =	sadd.s32 s0, s3;
	s0 =	sld [smem:$0x3FAE]  }
0x30: {  	s3 =	sld [smem:$0x3FB1]  }
0x31: {  	[smem:$0x3FBA] =	sst s10  }
0x32: {  	s10 =	sld [smem:$0x3FB8];
	_ =	sdelay $0x3  }
0x33: {  	p0 =	seq.s32 s10, $0x1;
	s10 =	sld [smem:$0x3FBA];
	_ =	sdelay $0x3  }
0x34: {  	[smem:$0x3FBA] =	sst s10  }
0x35: {  	s10 =	sld [smem:$0x3FB9];
	_ =	sdelay $0x3  }
0x36: {  	p1 =	seq.s32 s10, $0x1;
	s10 =	sld [smem:$0x3FBA];
	_ =	sdelay $0x3  }
0x37: {  	[smem:$0x3FBA] =	sst s10  }
0x38: {  	s10 =	sld [smem:$0x3FBB]  }
0x39: {  	_ = 	snop;
	(pc) =	sbr.ind lr, $3  }
0x3a: {  	_ = 	snop  }
0x3b: {  	_ = 	snop  }
0x3c: {  	p2 =	seq.s32 s10, $0x1;
	s10 =	sld [smem:$0x3FBA]  }
0x3d: {  	_ =	shalt  }
0x3e: {  	_ =	shalt  }
0x3f: {  	_ =	shalt  }
0x40: {  	_ =	shalt  }
0x41: {  	_ =	shalt  }
0x42: {  	_ =	shalt  }
0x43: {  	_ =	shalt  }
0x44: {  	_ =	shalt  }
0x45: {  	_ =	shalt  }
0x46: {  	_ =	shalt  }
0x47: {  	_ =	shalt  }
0x48: {  	_ =	shalt  }
0x49: {  	_ =	shalt  }
0x4a: {  	_ =	shalt  }
0x4b: {  	_ =	shalt  }
0x4c: {  	_ =	shalt  }
0x4d: {  	_ =	shalt  }
0x4e: {  	_ =	shalt  }
0x4f: {  	_ =	shalt  }
0x50: {  	_ =	shalt  }
0x51: {  	_ =	shalt  }
0x52: {  	_ =	shalt  }
0x53: {  	_ =	shalt  }
0x54: {  	_ =	shalt  }
0x55: {  	_ =	shalt  }
0x56: {  	_ =	shalt  }
0x57: {  	_ =	shalt  }
0x58: {  	_ =	shalt  }
0x59: {  	_ =	shalt  }
0x5a: {  	_ =	shalt  }
0x5b: {  	_ =	shalt  }
0x5c: {  	_ =	shalt  }
0x5d: {  	_ =	shalt  }
0x5e: {  	_ =	shalt  }
0x5f: {  	_ =	shalt  }
0x60: {  	_ =	shalt  }
0x61: {  	_ =	shalt  }
0x62: {  	_ =	shalt  }
0x63: {  	_ =	shalt  }
0x64: {  	_ =	shalt  }
0x65: {  	_ =	shalt  }
0x66: {  	_ =	shalt  }
0x67: {  	_ =	shalt  }
0x68: {  	_ =	shalt  }
0x69: {  	_ =	shalt  }
0x6a: {  	_ =	shalt  }
0x6b: {  	_ =	shalt  }
0x6c: {  	_ =	shalt  }
0x6d: {  	_ =	shalt  }
0x6e: {  	_ =	shalt  }
0x6f: {  	_ =	shalt  }
0x70: {  	_ =	shalt  }
0x71: {  	_ =	shalt  }
0x72: {  	_ =	shalt  }
0x73: {  	_ =	shalt  }
0x74: {  	_ =	shalt  }
0x75: {  	_ =	shalt  }
0x76: {  	_ =	shalt  }
0x77: {  	_ =	shalt  }
0x78: {  	_ =	shalt  }
0x79: {  	_ =	shalt  }
0x7a: {  	_ =	shalt  }
0x7b: {  	_ =	shalt  }
0x7c: {  	_ =	shalt  }
0x7d: {  	_ =	shalt  }
0x7e: {  	_ =	shalt  }
0x7f: {  	_ =	shalt  }
0x80: {  	_ =	shalt  }
0x81: {  	_ =	shalt  }
0x82: {  	_ =	shalt  }
0x83: {  	_ =	shalt  }
0x84: {  	_ =	shalt  }
0x85: {  	_ =	shalt  }
0x86: {  	_ =	shalt  }
0x87: {  	_ =	shalt  }
.Lfunc_end0:
.L_simem_size_0:
called_computation_lowered:
.L_overlay_start_0:
0x88: {  	s2 =	sld [smem:$0x3FD9]  }
0x89: {  	s3 =	sld [smem:$0x3FFE];
	_ =	sdelay $0x1  }
0x8a: {  	s1 =	srdreg.scid  }
0x8b: {  	s0 =	sand.u32 $0x1, s1  }
0x8c: {  	s17 =	sshll.u32 s0, $0xA;
	s2 =	sadd.s32 s3, s2  }
0x8d: {  	s2 =	sadd.s32 s2, s17  }
0x8e: {  	[smem:$0x3FC6] =	sst s2  }
0x8f: {  	_ = 	snop  }
0x90: {  	s2 =	sld [smem:$0x3FC9]  }
0x91: {  	s18 =	sld [smem:$0x3FD0];
	(tm) =	ssettm $0x1  }
0x92: {  	s4 =	sld [smem:$0x3FFB];
	_ =	sdelay $0x3  }
0x93: {  	_ =	strace s4  }
0x94: {  	s4 =	sld [smem:$0x3FFC];
	_ =	sdelay $0x3  }
0x95: {  	_ =	strace s4  }
0x96: {  	s4 =	sld [smem:$0x3FFD];
	_ =	sdelay $0x3  }
0x97: {  	_ =	strace s4  }
0x98: {  	_ =	strace $0x8FFFFFFF  }
0x99: {  	s19 =	sld [smem:$0x3FDB];
	_ =	sdelay $0x1  }
0x9a: {  	s5 =	simm.s32 $_scs_section_size  }
0x9b: {  	s6 =	simm.s32 $_size__tile_overlayer_lowered;
	s7 =	simm.s32 $_tile_overlayer_lowered  }
0x9c: {  	s22 =	simm.s32 $0x1BFF;
	s21 =	sshll.u32 s7, $0x1;
	s4 =	sadd.s32 s5, s19  }
0x9d: {  	s8 =	simm.s32 $0x0;
	s20 =	sshll.u32 s6, $0x1;
	s6 =	sadd.s32 s21, s4  }
0x9e: {  	[timem:s8], [sflag:s22] =	dma.local [hbm:s6], s20  }
0x9f: {  	_ =	swait.ge [sflag:s22], s20  }
0xa0: {  	s5 =	ssub.s32 $0x0, s20;
	[sflag:s22] =	ssyncset.done $0x0  }
0xa1: {  	[sflag:s22] =	ssyncadd.s32 s5;
	_ =	sdelay $0x1  }
0xa2: {  	s23 =	simm.s32 $0x1B8B  }
0xa3: {  	_ =	swait.ge [sflag:s23], $0x1  }
0xa4: {  	[sflag:s23] =	ssyncset.done $0x0  }
0xa5: {  	s25 =	simm.s32 $0x1B8E;
	s24 =	sld [smem:$0x3FFE];
	[sflag:s23] =	ssyncadd.s32 $0xFFFFFFFF  }
0xa6: {  	s26 =	simm.s32 $execute0_lowered;
	[smem:$0x3FD2] =	sst s25  }
0xa7: {  	s6 =	sshll.u32 s26, $0x1;
	_ =	strace $0x80000046;
	[dreg:$0x1] =	wrdreg $0xFFFFFFFF  }
0xa8: {  	s28 =	simm.s32 $_size_execute0_lowered;
	s4 =	sadd.s32 s4, s6;
	[dreg:$0x0] =	wrdreg $0x0  }
0xa9: {  	s6 =	sshll.u32 s28, $0x1;
	[dreg:$0x2] =	wrdreg s4  }
0xaa: {  	[dreg:$0x3] =	wrdreg s6  }
0xab: {  	[dreg:$0x4] =	wrdreg $0xC0  }
0xac: {  	_ =	task [dreg:s8], $0x5FFFF  }
0xad: {  	[dreg:$0x1] =	wrdreg $0xFFFFFFFF  }
0xae: {  	[dreg:$0x0] =	wrdreg $0x60  }
0xaf: {  	[dreg:$0x2] =	wrdreg s2  }
0xb0: {  	[dreg:$0x3] =	wrdreg s24  }
0xb1: {  	[dreg:$0x4] =	wrdreg s18  }
0xb2: {  	[dreg:$0x5] =	wrdreg $0x9  }
0xb3: {  	_ =	task.clear_ibuf [dreg:s8], $0x6FFFF;
	_ =	strace $0x90000046  }
0xb4: {  	s29 =	simm.s32 $0x9;
	_ =	strace $0x80000048  }
0xb5: {  	_ =	swait.ge [sflag:s29], $0x1  }
0xb6: {  	[sflag:s29] =	ssyncadd.s32 $0xFFFFFFFF  }
0xb7: {  	_ =	strace $0x90000048  }
0xb8: {  	_ =	sfence  }
0xb9: {  	s30 =	sld [smem:$0x0];
	_ =	sdelay $0x2  }
0xba: {  	s31 =	sshll.u32 s1, $0xD;
	s1 =	sshrl.u32 s1, $0x2  }
0xbb: {  	s3 =	sand.u32 $0x4000, s31;
	s1 =	sadd.s32 s1, s30  }
0xbc: {  	s0 =	sor.u32 s3, s0;
	s1 =	sshll.u32 s1, $0x11  }
0xbd: {  	s0 =	sor.u32 s1, s0  }
0xbe: {  	s0 =	sadd.s32 $0x8F2B, s0  }
0xbf: {  	[sflag:s0] =	ssyncadd.remote.s32 $0x1  }
0xc0: {  	_ =	sfence.sel $0xFFFF  }
0xc1: {  	[dreg:$0x0] =	wrdreg $0xFFFFFFFF;
	(pc) =	sbr.abs _section_cstart, $3  }
0xc2: {  	[dreg:$0x1] =	wrdreg $0xFFFFFFFF  }
0xc3: {  	_ =	task.clear_ibuf [dreg:s8], $0x2FFFF;
	_ =	strace $0x9FFFFFFF  }
0xc4: {  	(tm) =	ssettm $0x7FFFFFFF  }
0xc5: {  	_ =	shalt  }
tec
execute0_lowered:
.L_overlay_start_1:
0x0: {  	(tag) =	ssettag $0x1  }
0x1: {  	s0 =	stileid.u32;
	s8 =	rddreg [dreg:$0x1]  }
0x2: {  	s1 =	srdreg.scid;
	s4 =	rddreg [dreg:$0x2];
	s5 =	simm.s32 $0x0  }
0x3: {  	s12 =	simm.s32 $0x400;
	s13 =	simm.s32 $0x4;
	s14 =	simm.s32 $0xC480  }
0x4: {  	s15 =	simm.s32 $0x18900;
	s16 =	simm.s32 $0x2;
	s2 =	sshll.u32 s0, $0x1  }
0x5: {  	s7 =	sand.u32 $0x1, s1;
	s9 =	sshrl.u32 s0, $0x1;
	s30 =	sand.u32 $0x2, s2  }
0x6: {  	s17 =	simm.s32 $0x1BA80;
	s6 =	smul.u32 $0xC0, s9;
	s1 =	sor.u32 s7, s30  }
0x7: {  	s18 =	simm.s32 $0x1;
	[smem:$0x7FF] =	sst s5;
	s3 =	smul.u32 $0x30, s1  }
0x8: {  	s19 =	simm.s32 $0x3;
	s20 =	simm.s32 $0x0;
	s2 =	rddreg [dreg:$0x0]  }
0x9: {  	s11 =	sshll.u32 s9, $0x4;
	s9 =	smul.u32 $0x24C000, s9;
	s6 =	sadd.s32 s6, s3  }
0xa: {  	s7 =	ssub.s32 $0x2, s7;
	s8 =	sadd.s32 s11, s8;
	s10 =	sshrl.u32 s6, $0x3  }
0xb: {  	s1 =	rddreg [dreg:$0x3];
	s31 =	sshrl.u32 s7, $0x1;
	s10 =	smul.u32 $0xC400, s10  }
0xc: {  	v0 =	vimm.f32 $0.0e+00;
	v2 =	vlaneseq.u32;
	_ =	strace $0x80000047;
	s11 =	ssub.s32 s7, s31;
	s7 =	sadd.s32 $0x400, s8  }
0xd: {  	v1 =	vimm.s32 $0xC400;
	v3 =	vimm.s32 $0x0;
	v2 =	vmul.u32 $0x2, v2;
	s8 =	sadd.s32 s2, s10;
	s10 =	smax.u32 s11, $0x1;
	s11 =	simm.s32 $0x80  }
.LBB2_1:
0xe: {  	[tilespmem:$0xC400] =	vst v0  }
0xf: {  	[tilespmem:$0x18880] =	vst v0  }
0x10: {  	[tilespmem:s5], [sflag:$0x4] =	stream.strided.gather [hbm4b:s7+s11], $0xC400, s12, s11, $0x38;
	[tilespmem:$0x1EB80] =	vst v63  }
0x11: {  	_ =	swait.ge [sflag:s13], $0xC400  }
0x12: {  	[sflag:s13] =	ssyncset.done $0x0  }
0x13: {  	s21 =	simm.s32 $0x18920;
	[sflag:s13] =	ssyncadd.s32 $0xFFFF3C00  }
0x14: {  	[tilespmem:s14], [sflag:$0x2] =	stream.strided.gather [hbm4b:s8+s11], $0xC400, s12, s11, $0x38;
	[tilespmem:$0x1EB80] =	vst v63  }
0x15: {  	[tilespmem:s21+$0xFFFFFFE0] =	vst v1  }
0x16: {  	[tilespmem:s21+$0x10] =	vst v1  }
0x17: {  	s22 =	simm.s32 $0x0;
	[tilespmem:s21+$0x0] =	vst v1  }
.LBB2_2:
0x18: {  	s22 =	sadd.s32 $0x4, s22  }
0x19: {  	[tilespmem:s21+$0xFFFFFFF0] =	vst v1;
	s21 =	sadd.s32 $0x40, s21;
	p0 =	slt.u32 s22, $0x30C  }
.Ltmp0:
0x1a: {  	[tilespmem:s21+$0xFFFFFFE0] =	vst v1;
	(pc) =	sbr.rel @p0 .LBB2_2-.Ltmp0, $3  }
0x1b: {  	_ =	sdelay $0x1  }
0x1c: {  	[tilespmem:s21+$0x10] =	vst v1  }
0x1d: {  	[tilespmem:s21+$0x0] =	vst v1  }
0x1e: {  	s22 =	simm.s32 $0x0  }
0x1f: {  	v4 =	vor.u32 s22, v2;
	_ =	sdelay $0x2  }
0x20: {  	[tilespmem:s21+$0xFFFFFFF0] =	vst v1  }
0x21: {  	s21 =	simm.s32 $0x0;
	[tilespmem:$0x1BA00] =	vst v1  }
0x22: {  	v5 =	vld.idx.msk [tilespmem:v4+s21+$0x0], $0xffff;
	_ =	sdelay $0x4  }
0x23: {  	vm0 =	vgt.s32 v5, $0x0  }
0x24: {  	v5 =	vsel vm0, $0x1, v3  }
0x25: {  	(xrf0) =	vadd.scan.msk.s32 $0xffff, v5;
	_ =	sdelay $0x3  }
0x26: {  	v5 =	vmov s21  }
0x27: {  	v5 =	vadd.s32 $0xFFFFFFFF, v5  }
0x28: {  	v5 =	vbroadcast v5, $0x0;
	v6, _, _ =	vpop (xrf0)  }
0x29: {  	(v2sf) =	vpush v6, $0xF  }
0x2a: {  	s26 =	simm.s32 $0x20;
	v5 =	vadd.s32 v6, v5  }
0x2b: {  	v6 =	vor.u32 s26, v2;
	_ =	sdelay $0x3  }
0x2c: {  	[tilespmem:v5+s15+$0x0] =	vst.idx.msk vm0, v4  }
0x2d: {  	v4 =	vld.idx.msk [tilespmem:v6+s21+$0x0], $0xffff;
	_ =	sdelay $0x4  }
0x2e: {  	vm0 =	vgt.s32 v4, $0x0  }
0x2f: {  	v4 =	vsel vm0, $0x1, v3  }
0x30: {  	(xrf0) =	vadd.scan.msk.s32 $0xffff, v4  }
0x31: {  	s28 =	spop (v2sf)  }
0x32: {  	s22 =	sadd.s32 $0x0, s28  }
0x33: {  	v4 =	vmov s22  }
0x34: {  	v4 =	vadd.s32 $0xFFFFFFFF, v4  }
0x35: {  	v4 =	vbroadcast v4, $0x0  }
0x36: {  	v5, _, _ =	vpop (xrf0)  }
0x37: {  	s23 =	simm.s32 $0x40;
	(v2sf) =	vpush v5, $0xF;
	v4 =	vadd.s32 v5, v4  }
0x38: {  	v5 =	vor.u32 s23, v2;
	_ =	sdelay $0x3  }
0x39: {  	[tilespmem:v4+s15+$0x0] =	vst.idx.msk vm0, v6  }
0x3a: {  	v4 =	vld.idx.msk [tilespmem:v5+s21+$0x0], $0xffff;
	_ =	sdelay $0x4  }
0x3b: {  	vm0 =	vgt.s32 v4, $0x0  }
0x3c: {  	v4 =	vsel vm0, $0x1, v3  }
0x3d: {  	(xrf0) =	vadd.scan.msk.s32 $0xffff, v4;
	_ =	sdelay $0x1  }
0x3e: {  	s29 =	spop (v2sf)  }
0x3f: {  	s22 =	sadd.s32 s22, s29  }
0x40: {  	v4 =	vmov s22  }
0x41: {  	v4 =	vadd.s32 $0xFFFFFFFF, v4  }
0x42: {  	v4 =	vbroadcast v4, $0x0;
	v6, _, _ =	vpop (xrf0)  }
0x43: {  	(v2sf) =	vpush v6, $0xF  }
0x44: {  	s30 =	simm.s32 $0x60;
	v4 =	vadd.s32 v6, v4  }
0x45: {  	v6 =	vor.u32 s30, v2;
	_ =	sdelay $0x3  }
0x46: {  	[tilespmem:v4+s15+$0x0] =	vst.idx.msk vm0, v5  }
0x47: {  	v4 =	vld.idx.msk [tilespmem:v6+s21+$0x0], $0xffff;
	_ =	sdelay $0x4  }
0x48: {  	vm0 =	vgt.s32 v4, $0x0  }
0x49: {  	v4 =	vsel vm0, $0x1, v3  }
0x4a: {  	(xrf0) =	vadd.scan.msk.s32 $0xffff, v4  }
0x4b: {  	s31 =	spop (v2sf)  }
0x4c: {  	s22 =	sadd.s32 s22, s31  }
0x4d: {  	v4 =	vmov s22  }
0x4e: {  	v4 =	vadd.s32 $0xFFFFFFFF, v4  }
0x4f: {  	v4 =	vbroadcast v4, $0x0  }
0x50: {  	v5, _, _ =	vpop (xrf0)  }
0x51: {  	s24 =	simm.s32 $0x80;
	(v2sf) =	vpush v5, $0xF;
	v4 =	vadd.s32 v5, v4  }
0x52: {  	v5 =	vor.u32 s24, v2;
	_ =	sdelay $0x3  }
0x53: {  	[tilespmem:v4+s15+$0x0] =	vst.idx.msk vm0, v6  }
0x54: {  	v4 =	vld.idx.msk [tilespmem:v5+s21+$0x0], $0xffff;
	_ =	sdelay $0x4  }
0x55: {  	vm0 =	vgt.s32 v4, $0x0  }
0x56: {  	v4 =	vsel vm0, $0x1, v3  }
0x57: {  	(xrf0) =	vadd.scan.msk.s32 $0xffff, v4;
	_ =	sdelay $0x1  }
0x58: {  	s25 =	spop (v2sf)  }
0x59: {  	s22 =	sadd.s32 s22, s25  }
0x5a: {  	v4 =	vmov s22  }
0x5b: {  	v4 =	vadd.s32 $0xFFFFFFFF, v4  }
0x5c: {  	v4 =	vbroadcast v4, $0x0;
	v6, _, _ =	vpop (xrf0)  }
0x5d: {  	(v2sf) =	vpush v6, $0xF  }
0x5e: {  	s26 =	simm.s32 $0xA0;
	v4 =	vadd.s32 v6, v4  }
0x5f: {  	v6 =	vor.u32 s26, v2;
	_ =	sdelay $0x3  }
0x60: {  	[tilespmem:v4+s15+$0x0] =	vst.idx.msk vm0, v5  }
0x61: {  	v4 =	vld.idx.msk [tilespmem:v6+s21+$0x0], $0xffff;
	_ =	sdelay $0x4  }
0x62: {  	vm0 =	vgt.s32 v4, $0x0  }
0x63: {  	v4 =	vsel vm0, $0x1, v3  }
0x64: {  	(xrf0) =	vadd.scan.msk.s32 $0xffff, v4  }
0x65: {  	s28 =	spop (v2sf)  }
0x66: {  	s22 =	sadd.s32 s22, s28  }
0x67: {  	v4 =	vmov s22  }
0x68: {  	v4 =	vadd.s32 $0xFFFFFFFF, v4  }
0x69: {  	v4 =	vbroadcast v4, $0x0  }
0x6a: {  	v5, _, _ =	vpop (xrf0)  }
0x6b: {  	s29 =	simm.s32 $0xC0;
	v4 =	vadd.s32 v5, v4  }
0x6c: {  	(v2sf) =	vpush v5, $0xF;
	v5 =	vor.u32 s29, v2;
	_ =	sdelay $0x3  }
0x6d: {  	[tilespmem:v4+s15+$0x0] =	vst.idx.msk vm0, v6  }
0x6e: {  	v4 =	vld.idx.msk [tilespmem:v5+s21+$0x0], $0xffff;
	_ =	sdelay $0x4  }
0x6f: {  	vm0 =	vgt.s32 v4, $0x0  }
0x70: {  	v4 =	vsel vm0, $0x1, v3  }
0x71: {  	(xrf0) =	vadd.scan.msk.s32 $0xffff, v4;
	_ =	sdelay $0x2  }
0x72: {  	s30 =	spop (v2sf)  }
0x73: {  	s24 =	sadd.s32 s22, s30  }
0x74: {  	v4 =	vmov s24  }
0x75: {  	v4 =	vadd.s32 $0xFFFFFFFF, v4;
	v6, _, _ =	vpop (xrf0)  }
0x76: {  	v4 =	vbroadcast v4, $0x0;
	(v2sf) =	vpush v6, $0xF;
	_ =	sdelay $0x1  }
0x77: {  	s31 =	simm.s32 $0x1C0;
	v6 =	vadd.s32 v6, v4  }
0x78: {  	v4 =	vor.u32 s31, v2;
	_ =	sdelay $0x3  }
0x79: {  	[tilespmem:v6+s15+$0x0] =	vst.idx.msk vm0, v5  }
0x7a: {  	v5 =	vld.idx.msk [tilespmem:v4+s21+$0x0], $0xffff;
	_ =	sdelay $0x4  }
0x7b: {  	vm0 =	vgt.s32 v5, $0x0  }
0x7c: {  	v5 =	vsel vm0, $0x1, v3  }
0x7d: {  	s23 =	simm.s32 $0x440;
	s22 =	simm.s32 $0x280;
	(xrf0) =	vadd.scan.msk.s32 $0xffff, v5;
	s25 =	spop (v2sf)  }
.LBB2_4:
0x7e: {  	p0 =	sne.s32 s23, $0xC300  }
0x7f: {  	s25 =	sadd.s32 s24, s25;
	s24 =	smov.u32 s23;
	s23 =	sadd.s32 $0x1C0, s23  }
0x80: {  	v5 =	vmov s25  }
0x81: {  	v5 =	vadd.s32 $0xFFFFFFFF, v5  }
0x82: {  	v5 =	vbroadcast v5, $0x0  }
0x83: {  	v6, _, _ =	vpop (xrf0)  }
0x84: {  	s26 =	sadd.s32 $0xFFFFFF60, s22;
	v5 =	vadd.s32 v6, v5;
	(v2sf) =	vpush v6, $0xF  }
0x85: {  	v6 =	vor.u32 s26, v2;
	_ =	sdelay $0x3  }
0x86: {  	[tilespmem:v5+s15+$0x0] =	vst.idx.msk vm0, v4  }
0x87: {  	v4 =	vld.idx.msk [tilespmem:v6+s21+$0x0], $0xffff;
	_ =	sdelay $0x5  }
0x88: {  	vm0 =	vgt.s32 v4, $0x0  }
0x89: {  	v4 =	vsel vm0, $0x1, v3  }
0x8a: {  	(xrf0) =	vadd.scan.msk.s32 $0xffff, v4  }
0x8b: {  	s26 =	spop (v2sf)  }
0x8c: {  	s25 =	sadd.s32 s25, s26  }
0x8d: {  	v4 =	vmov s25  }
0x8e: {  	v4 =	vadd.s32 $0xFFFFFFFF, v4  }
0x8f: {  	v4 =	vbroadcast v4, $0x0  }
0x90: {  	v5, _, _ =	vpop (xrf0)  }
0x91: {  	s26 =	sadd.s32 $0xFFFFFF80, s22;
	v4 =	vadd.s32 v5, v4;
	(v2sf) =	vpush v5, $0xF  }
0x92: {  	v5 =	vor.u32 s26, v2;
	_ =	sdelay $0x3  }
0x93: {  	[tilespmem:v4+s15+$0x0] =	vst.idx.msk vm0, v6  }
0x94: {  	v4 =	vld.idx.msk [tilespmem:v5+s21+$0x0], $0xffff;
	_ =	sdelay $0x5  }
0x95: {  	vm0 =	vgt.s32 v4, $0x0  }
0x96: {  	v4 =	vsel vm0, $0x1, v3  }
0x97: {  	(xrf0) =	vadd.scan.msk.s32 $0xffff, v4  }
0x98: {  	s26 =	spop (v2sf)  }
0x99: {  	s25 =	sadd.s32 s25, s26  }
0x9a: {  	v4 =	vmov s25  }
0x9b: {  	v4 =	vadd.s32 $0xFFFFFFFF, v4  }
0x9c: {  	v4 =	vbroadcast v4, $0x0  }
0x9d: {  	v6, _, _ =	vpop (xrf0)  }
0x9e: {  	s26 =	sadd.s32 $0xFFFFFFA0, s22;
	v4 =	vadd.s32 v6, v4;
	(v2sf) =	vpush v6, $0xF  }
0x9f: {  	v6 =	vor.u32 s26, v2;
	_ =	sdelay $0x3  }
0xa0: {  	[tilespmem:v4+s15+$0x0] =	vst.idx.msk vm0, v5  }
0xa1: {  	v4 =	vld.idx.msk [tilespmem:v6+s21+$0x0], $0xffff;
	_ =	sdelay $0x5  }
0xa2: {  	vm0 =	vgt.s32 v4, $0x0  }
0xa3: {  	v4 =	vsel vm0, $0x1, v3  }
0xa4: {  	(xrf0) =	vadd.scan.msk.s32 $0xffff, v4  }
0xa5: {  	s26 =	spop (v2sf)  }
0xa6: {  	s25 =	sadd.s32 s25, s26  }
0xa7: {  	v4 =	vmov s25  }
0xa8: {  	v4 =	vadd.s32 $0xFFFFFFFF, v4  }
0xa9: {  	v4 =	vbroadcast v4, $0x0  }
0xaa: {  	v5, _, _ =	vpop (xrf0)  }
0xab: {  	s26 =	sadd.s32 $0xFFFFFFC0, s22;
	v4 =	vadd.s32 v5, v4;
	(v2sf) =	vpush v5, $0xF  }
0xac: {  	v5 =	vor.u32 s26, v2;
	_ =	sdelay $0x3  }
0xad: {  	[tilespmem:v4+s15+$0x0] =	vst.idx.msk vm0, v6  }
0xae: {  	v4 =	vld.idx.msk [tilespmem:v5+s21+$0x0], $0xffff;
	_ =	sdelay $0x5  }
0xaf: {  	vm0 =	vgt.s32 v4, $0x0  }
0xb0: {  	v4 =	vsel vm0, $0x1, v3  }
0xb1: {  	(xrf0) =	vadd.scan.msk.s32 $0xffff, v4  }
0xb2: {  	s26 =	spop (v2sf)  }
0xb3: {  	s25 =	sadd.s32 s25, s26  }
0xb4: {  	v4 =	vmov s25  }
0xb5: {  	v4 =	vadd.s32 $0xFFFFFFFF, v4  }
0xb6: {  	v4 =	vbroadcast v4, $0x0  }
0xb7: {  	v6, _, _ =	vpop (xrf0)  }
0xb8: {  	s26 =	sadd.s32 $0xFFFFFFE0, s22;
	v4 =	vadd.s32 v6, v4;
	(v2sf) =	vpush v6, $0xF  }
0xb9: {  	v6 =	vor.u32 s26, v2;
	_ =	sdelay $0x3  }
0xba: {  	[tilespmem:v4+s15+$0x0] =	vst.idx.msk vm0, v5  }
0xbb: {  	v4 =	vld.idx.msk [tilespmem:v6+s21+$0x0], $0xffff;
	_ =	sdelay $0x5  }
0xbc: {  	vm0 =	vgt.s32 v4, $0x0  }
0xbd: {  	v4 =	vsel vm0, $0x1, v3  }
0xbe: {  	(xrf0) =	vadd.scan.msk.s32 $0xffff, v4  }
0xbf: {  	s26 =	spop (v2sf)  }
0xc0: {  	s25 =	sadd.s32 s25, s26  }
0xc1: {  	v4 =	vmov s25  }
0xc2: {  	v4 =	vadd.s32 $0xFFFFFFFF, v4  }
0xc3: {  	v4 =	vbroadcast v4, $0x0  }
0xc4: {  	v5, _, _ =	vpop (xrf0)  }
0xc5: {  	v4 =	vadd.s32 v5, v4;
	(v2sf) =	vpush v5, $0xF  }
0xc6: {  	v5 =	vor.u32 s22, v2;
	s22 =	smov.u32 s24;
	_ =	sdelay $0x3  }
0xc7: {  	[tilespmem:v4+s15+$0x0] =	vst.idx.msk vm0, v6  }
0xc8: {  	v4 =	vld.idx.msk [tilespmem:v5+s21+$0x0], $0xffff;
	_ =	sdelay $0x5  }
0xc9: {  	vm0 =	vgt.s32 v4, $0x0  }
0xca: {  	v4 =	vsel vm0, $0x1, v3  }
0xcb: {  	(xrf0) =	vadd.scan.msk.s32 $0xffff, v4  }
0xcc: {  	s24 =	spop (v2sf)  }
0xcd: {  	s24 =	sadd.s32 s25, s24  }
0xce: {  	v4 =	vmov s24  }
0xcf: {  	v4 =	vadd.s32 $0xFFFFFFFF, v4  }
0xd0: {  	v4 =	vbroadcast v4, $0x0  }
0xd1: {  	v6, _, _ =	vpop (xrf0)  }
0xd2: {  	s25 =	sadd.s32 $0xFFFFFF40, s22;
	v7 =	vadd.s32 v6, v4;
	(v2sf) =	vpush v6, $0xF  }
0xd3: {  	v4 =	vor.u32 s25, v2;
	_ =	sdelay $0x3  }
0xd4: {  	[tilespmem:v7+s15+$0x0] =	vst.idx.msk vm0, v5  }
0xd5: {  	v5 =	vld.idx.msk [tilespmem:v4+s21+$0x0], $0xffff;
	_ =	sdelay $0x4  }
.Ltmp1:
0xd6: {  	(pc) =	sbr.rel @p0 .LBB2_4-.Ltmp1, $4  }
0xd7: {  	vm0 =	vgt.s32 v5, $0x0  }
0xd8: {  	v5 =	vsel vm0, $0x1, v3  }
0xd9: {  	(xrf0) =	vadd.scan.msk.s32 $0xffff, v5  }
0xda: {  	s25 =	spop (v2sf)  }
0xdb: {  	_ = 	snop  }
0xdc: {  	s23 =	sadd.s32 s24, s25  }
0xdd: {  	v5 =	vmov s23  }
0xde: {  	v5 =	vadd.s32 $0xFFFFFFFF, v5  }
0xdf: {  	v5 =	vbroadcast v5, $0x0;
	v6, _, _ =	vpop (xrf0)  }
0xe0: {  	(v2sf) =	vpush v6, $0xF  }
0xe1: {  	s25 =	sadd.s32 $0xFFFFFF60, s22;
	v5 =	vadd.s32 v6, v5  }
0xe2: {  	v59 =	vor.u32 s25, v2;
	_ =	sdelay $0x3  }
0xe3: {  	[tilespmem:v5+s15+$0x0] =	vst.idx.msk vm0, v4  }
0xe4: {  	v4 =	vld.idx.msk [tilespmem:v59+s21+$0x0], $0xffff;
	_ =	sdelay $0x4  }
0xe5: {  	vm10 =	vgt.s32 v4, $0x0  }
0xe6: {  	v4 =	vsel vm10, $0x1, v3  }
0xe7: {  	(xrf0) =	vadd.scan.msk.s32 $0xffff, v4  }
0xe8: {  	s26 =	spop (v2sf)  }
0xe9: {  	s23 =	sadd.s32 s23, s26  }
0xea: {  	v4 =	vmov s23  }
0xeb: {  	v4 =	vadd.s32 $0xFFFFFFFF, v4  }
0xec: {  	v4 =	vbroadcast v4, $0x0  }
0xed: {  	v5, _, _ =	vpop (xrf0)  }
0xee: {  	s28 =	sadd.s32 $0xFFFFFF80, s22;
	(v2sf) =	vpush v5, $0xF;
	v4 =	vadd.s32 v5, v4  }
0xef: {  	v5 =	vor.u32 s28, v2;
	_ =	sdelay $0x3  }
0xf0: {  	[tilespmem:v4+s15+$0x0] =	vst.idx.msk vm10, v59  }
0xf1: {  	v4 =	vld.idx.msk [tilespmem:v5+s21+$0x0], $0xffff;
	_ =	sdelay $0x4  }
0xf2: {  	vm11 =	vgt.s32 v4, $0x0  }
0xf3: {  	v4 =	vsel vm11, $0x1, v3  }
0xf4: {  	(xrf0) =	vadd.scan.msk.s32 $0xffff, v4;
	_ =	sdelay $0x1  }
0xf5: {  	s29 =	spop (v2sf)  }
0xf6: {  	s23 =	sadd.s32 s23, s29  }
0xf7: {  	v4 =	vmov s23  }
0xf8: {  	v4 =	vadd.s32 $0xFFFFFFFF, v4  }
0xf9: {  	v4 =	vbroadcast v4, $0x0;
	v60, _, _ =	vpop (xrf0)  }
0xfa: {  	(v2sf) =	vpush v60, $0xF  }
0xfb: {  	s30 =	sadd.s32 $0xFFFFFFA0, s22;
	v4 =	vadd.s32 v60, v4  }
0xfc: {  	v61 =	vor.u32 s30, v2;
	_ =	sdelay $0x3  }
0xfd: {  	[tilespmem:v4+s15+$0x0] =	vst.idx.msk vm11, v5  }
0xfe: {  	v4 =	vld.idx.msk [tilespmem:v61+s21+$0x0], $0xffff;
	_ =	sdelay $0x4  }
0xff: {  	vm12 =	vgt.s32 v4, $0x0  }
0x100: {  	v4 =	vsel vm12, $0x1, v3  }
0x101: {  	(xrf0) =	vadd.scan.msk.s32 $0xffff, v4  }
0x102: {  	s31 =	spop (v2sf)  }
0x103: {  	s23 =	sadd.s32 s23, s31  }
0x104: {  	v4 =	vmov s23  }
0x105: {  	v4 =	vadd.s32 $0xFFFFFFFF, v4  }
0x106: {  	v4 =	vbroadcast v4, $0x0  }
0x107: {  	v5, _, _ =	vpop (xrf0)  }
0x108: {  	s25 =	sadd.s32 $0xFFFFFFC0, s22;
	(v2sf) =	vpush v5, $0xF;
	v4 =	vadd.s32 v5, v4  }
0x109: {  	v5 =	vor.u32 s25, v2;
	_ =	sdelay $0x3  }
0x10a: {  	[tilespmem:v4+s15+$0x0] =	vst.idx.msk vm12, v61  }
0x10b: {  	v4 =	vld.idx.msk [tilespmem:v5+s21+$0x0], $0xffff;
	_ =	sdelay $0x4  }
0x10c: {  	vm13 =	vgt.s32 v4, $0x0  }
0x10d: {  	v4 =	vsel vm13, $0x1, v3  }
0x10e: {  	(xrf0) =	vadd.scan.msk.s32 $0xffff, v4;
	_ =	sdelay $0x1  }
0x10f: {  	s26 =	spop (v2sf)  }
0x110: {  	s23 =	sadd.s32 s23, s26  }
0x111: {  	v4 =	vmov s23  }
0x112: {  	v4 =	vadd.s32 $0xFFFFFFFF, v4  }
0x113: {  	v4 =	vbroadcast v4, $0x0;
	v62, _, _ =	vpop (xrf0)  }
0x114: {  	(v2sf) =	vpush v62, $0xF  }
0x115: {  	s28 =	sadd.s32 $0xFFFFFFE0, s22;
	v4 =	vadd.s32 v62, v4  }
0x116: {  	v63 =	vor.u32 s28, v2;
	_ =	sdelay $0x3  }
0x117: {  	[tilespmem:v4+s15+$0x0] =	vst.idx.msk vm13, v5  }
0x118: {  	v4 =	vld.idx.msk [tilespmem:v63+s21+$0x0], $0xffff;
	_ =	sdelay $0x4  }
0x119: {  	vm14 =	vgt.s32 v4, $0x0  }
0x11a: {  	v4 =	vsel vm14, $0x1, v3  }
0x11b: {  	(xrf0) =	vadd.scan.msk.s32 $0xffff, v4  }
0x11c: {  	s29 =	spop (v2sf)  }
0x11d: {  	s23 =	sadd.s32 s23, s29  }
0x11e: {  	v4 =	vmov s23  }
0x11f: {  	v4 =	vadd.s32 $0xFFFFFFFF, v4  }
0x120: {  	v4 =	vbroadcast v4, $0x0  }
0x121: {  	v5, _, _ =	vpop (xrf0)  }
0x122: {  	v4 =	vadd.s32 v5, v4  }
0x123: {  	v7 =	vor.u32 s22, v2;
	_ =	sdelay $0x3  }
0x124: {  	[tilespmem:v4+s15+$0x0] =	vst.idx.msk vm14, v63  }
0x125: {  	v4 =	vld.idx.msk [tilespmem:v7+s21+$0x0], $0xffff;
	_ =	sdelay $0x2  }
0x126: {  	(v2sf) =	vpush v5, $0xF;
	_ =	sdelay $0x1  }
0x127: {  	vm15 =	vgt.s32 v4, $0x0  }
0x128: {  	v4 =	vsel vm15, $0x1, v3  }
0x129: {  	(xrf0) =	vadd.scan.msk.s32 $0xffff, v4;
	_ =	sdelay $0x5  }
0x12a: {  	v4, _, _ =	vpop (xrf0)  }
0x12b: {  	(v2sf) =	vpush v4, $0xF;
	_ =	sdelay $0x3  }
0x12c: {  	s30 =	spop (v2sf)  }
0x12d: {  	s22 =	sadd.s32 s23, s30  }
0x12e: {  	v5 =	vmov s22  }
0x12f: {  	v5 =	vadd.s32 $0xFFFFFFFF, v5  }
0x130: {  	v5 =	vbroadcast v5, $0x0;
	_ =	sdelay $0x1  }
0x131: {  	v4 =	vadd.s32 v4, v5;
	_ =	sdelay $0x4  }
0x132: {  	[tilespmem:v4+s15+$0x0] =	vst.idx.msk vm15, v7;
	s31 =	spop (v2sf)  }
.LBB2_6:
0x133: {  	s24 =	sshll.u32 s21, $0x1  }
0x134: {  	s22 =	sadd.s32 s6, s24  }
0x135: {  	s23 =	sshrl.u32 s22, $0x3  }
0x136: {  	s30 =	sshll.u32 s21, $0x8;
	s25 =	smul.u32 $0x62000, s23  }
0x137: {  	s23 =	sand.u32 $0x300, s30  }
0x138: {  	s25 =	sor.u32 s25, s23  }
0x139: {  	_ =	swait.ge [sflag:s16], $0xC400;
	s25 =	sor.u32 $0x80, s25  }
0x13a: {  	[sflag:s16] =	ssyncset.done $0x0;
	s25 =	sshrl.u32 s25, $0x3  }
0x13b: {  	p0 =	seq.s32 s21, $0x0;
	[sflag:s16] =	ssyncadd.s32 $0xFFFF3C00;
	s25 =	sadd.s32 s2, s25  }
0x13c: {  	[tilespmem:s5], [sflag:$0x1] =	stream.strided.gather [hbm4b:s25+s11], $0xC400, s12, s11, $0x38;
	[tilespmem:$0x1EB80] =	vst v63  }
0x13d: {  	s25 =	simm.s32 @!p0 $0x3  }
0x13e: {  	_ =	swait.ge @!p0 [sflag:s25], $0x3100  }
0x13f: {  	[sflag:s25] =	ssyncset.done @!p0 $0x0  }
0x140: {  	s31 =	simm.s32 $0x18940;
	[sflag:s25] =	ssyncadd.s32 @!p0 $0xFFFFCF00  }
0x141: {  	v4 =	vld [tilespmem:s31+$0x30]  }
0x142: {  	v5 =	vld [tilespmem:s31+$0xFFFFFFD0]  }
0x143: {  	v6 =	vld [tilespmem:s31+$0xFFFFFFE0]  }
0x144: {  	v7 =	vld [tilespmem:s31+$0xFFFFFFF0]  }
0x145: {  	v10 =	vld [tilespmem:s31+$0x0]  }
0x146: {  	v11 =	vld [tilespmem:s31+$0x10]  }
0x147: {  	v12 =	vld [tilespmem:s31+$0x20]  }
0x148: {  	v13 =	vld [tilespmem:s31+$0xFFFFFFC0]  }
0x149: {  	v14 =	vld.idx.msk [tilespmem:v4+s14+$0x0], $0xffff  }
0x14a: {  	v15 =	vld.idx.msk [tilespmem:v5+s14+$0x0], $0xffff  }
0x14b: {  	v9 =	vld.idx.msk [tilespmem:v6+s14+$0x0], $0xffff  }
0x14c: {  	v8 =	vld.idx.msk [tilespmem:v7+s14+$0x0], $0xffff  }
0x14d: {  	v7 =	vld.idx.msk [tilespmem:v10+s14+$0x0], $0xffff  }
0x14e: {  	s25 =	simm.s32 $0x1BAC0;
	v5 =	vld.idx.msk [tilespmem:v11+s14+$0x0], $0xffff  }
0x14f: {  	v4 =	vld.idx.msk [tilespmem:v12+s14+$0x0], $0xffff;
	[tilespmem:s25+$0x30] =	vst v14  }
0x150: {  	s26 =	simm.s32 $0x0;
	s28 =	simm.s32 $0x189C0;
	v6 =	vld.idx.msk [tilespmem:v13+s14+$0x0], $0xffff;
	[tilespmem:s25+$0xFFFFFFD0] =	vst v15  }
.LBB2_7:
0x151: {  	v10 =	vld [tilespmem:s28+$0x30];
	s26 =	sadd.s32 $0x8, s26;
	[tilespmem:s25+$0xFFFFFFE0] =	vst v9  }
0x152: {  	v9 =	vld [tilespmem:s28+$0xFFFFFFD0];
	p0 =	slt.u32 s26, $0x308;
	[tilespmem:s25+$0xFFFFFFF0] =	vst v8  }
0x153: {  	v8 =	vld [tilespmem:s28+$0xFFFFFFE0];
	[tilespmem:s25+$0x0] =	vst v7  }
0x154: {  	v7 =	vld [tilespmem:s28+$0xFFFFFFF0];
	[tilespmem:s25+$0x10] =	vst v5  }
0x155: {  	v5 =	vld [tilespmem:s28+$0x0];
	[tilespmem:s25+$0x20] =	vst v4  }
0x156: {  	v4 =	vld [tilespmem:s28+$0x10];
	[tilespmem:s25+$0xFFFFFFC0] =	vst v6  }
0x157: {  	v6 =	vld [tilespmem:s28+$0x20]  }
0x158: {  	v11 =	vld [tilespmem:s28+$0xFFFFFFC0]  }
0x159: {  	v10 =	vld.idx.msk [tilespmem:v10+s14+$0x0], $0xffff  }
0x15a: {  	v12 =	vld.idx.msk [tilespmem:v9+s14+$0x0], $0xffff  }
0x15b: {  	v9 =	vld.idx.msk [tilespmem:v8+s14+$0x0], $0xffff  }
.Ltmp2:
0x15c: {  	v8 =	vld.idx.msk [tilespmem:v7+s14+$0x0], $0xffff;
	(pc) =	sbr.rel @p0 .LBB2_7-.Ltmp2, $4  }
0x15d: {  	v7 =	vld.idx.msk [tilespmem:v5+s14+$0x0], $0xffff  }
0x15e: {  	s25 =	sadd.s32 $0x80, s25;
	v5 =	vld.idx.msk [tilespmem:v4+s14+$0x0], $0xffff  }
0x15f: {  	v4 =	vld.idx.msk [tilespmem:v6+s14+$0x0], $0xffff;
	[tilespmem:s25+$0x30] =	vst v10  }
0x160: {  	s28 =	sadd.s32 $0x80, s28;
	v6 =	vld.idx.msk [tilespmem:v11+s14+$0x0], $0xffff;
	[tilespmem:s25+$0xFFFFFFD0] =	vst v12  }
0x161: {  	s24 =	sadd.s32 s3, s24  }
0x162: {  	s24 =	sshrl.u32 s24, $0x3  }
0x163: {  	[tilespmem:s25+$0xFFFFFFE0] =	vst v9;
	s24 =	smul.u32 $0x18800, s24  }
0x164: {  	[tilespmem:s25+$0xFFFFFFF0] =	vst v8  }
0x165: {  	s22 =	smin.u32 s22, $0x5FD;
	[tilespmem:s25+$0x0] =	vst v7;
	s24 =	sadd.s32 s9, s24  }
0x166: {  	s22 =	sadd.s32 $0x2, s22;
	[tilespmem:s25+$0x10] =	vst v5;
	s23 =	sor.u32 s23, s24  }
0x167: {  	s30 =	sshrl.u32 s22, $0x3;
	s22 =	sshll.u32 s22, $0x7;
	[tilespmem:s25+$0x20] =	vst v4;
	s23 =	sshrl.u32 s23, $0x3  }
0x168: {  	s22 =	sand.u32 $0x380, s22;
	[tilespmem:s25+$0xFFFFFFC0] =	vst v6;
	s24 =	smul.u32 $0x62000, s30;
	s29 =	sadd.s32 s4, s23  }
0x169: {  	[hbm4b:s29+s11] =	stream.strided.scatter [tilespmem:s17], [sflag:$0x3], $0x3100, s12, s11, $0x38;
	[tilespmem:$0x1EB80] =	vst v63  }
0x16a: {  	s22 =	sor.u32 s22, s24;
	_ =	swait.ge [sflag:s18], $0xC400  }
0x16b: {  	s22 =	sshrl.u32 s22, $0x3;
	[sflag:s18] =	ssyncset.done $0x0  }
0x16c: {  	s22 =	sadd.s32 s2, s22;
	[sflag:s18] =	ssyncadd.s32 $0xFFFF3C00  }
0x16d: {  	[tilespmem:s14], [sflag:$0x2] =	stream.strided.gather [hbm4b:s22+s11], $0xC400, s12, s11, $0x38;
	[tilespmem:$0x1EB80] =	vst v63  }
0x16e: {  	_ =	swait.ge [sflag:s19], $0x3100  }
0x16f: {  	[sflag:s19] =	ssyncset.done $0x0  }
0x170: {  	s31 =	simm.s32 $0x18940;
	[sflag:s19] =	ssyncadd.s32 $0xFFFFCF00  }
0x171: {  	v4 =	vld [tilespmem:s31+$0x30]  }
0x172: {  	v5 =	vld [tilespmem:s31+$0xFFFFFFD0]  }
0x173: {  	v6 =	vld [tilespmem:s31+$0xFFFFFFE0]  }
0x174: {  	v7 =	vld [tilespmem:s31+$0xFFFFFFF0]  }
0x175: {  	v8 =	vld [tilespmem:s31+$0x0]  }
0x176: {  	v10 =	vld [tilespmem:s31+$0x10]  }
0x177: {  	v11 =	vld [tilespmem:s31+$0x20]  }
0x178: {  	v12 =	vld [tilespmem:s31+$0xFFFFFFC0]  }
0x179: {  	v13 =	vld.idx.msk [tilespmem:v4+s5+$0x0], $0xffff  }
0x17a: {  	v14 =	vld.idx.msk [tilespmem:v5+s5+$0x0], $0xffff  }
0x17b: {  	v9 =	vld.idx.msk [tilespmem:v6+s5+$0x0], $0xffff  }
0x17c: {  	v7 =	vld.idx.msk [tilespmem:v7+s5+$0x0], $0xffff  }
0x17d: {  	v4 =	vld.idx.msk [tilespmem:v8+s5+$0x0], $0xffff  }
0x17e: {  	s22 =	simm.s32 $0x1BAC0;
	v5 =	vld.idx.msk [tilespmem:v10+s5+$0x0], $0xffff  }
0x17f: {  	v6 =	vld.idx.msk [tilespmem:v11+s5+$0x0], $0xffff;
	[tilespmem:s22+$0x30] =	vst v13  }
0x180: {  	s25 =	simm.s32 $0x189C0;
	s24 =	simm.s32 $0x0;
	v8 =	vld.idx.msk [tilespmem:v12+s5+$0x0], $0xffff;
	[tilespmem:s22+$0xFFFFFFD0] =	vst v14  }
.LBB2_9:
0x181: {  	v10 =	vld [tilespmem:s25+$0x30];
	s24 =	sadd.s32 $0x8, s24;
	[tilespmem:s22+$0xFFFFFFE0] =	vst v9  }
0x182: {  	v9 =	vld [tilespmem:s25+$0xFFFFFFD0];
	p0 =	slt.u32 s24, $0x308;
	[tilespmem:s22+$0xFFFFFFF0] =	vst v7  }
0x183: {  	v7 =	vld [tilespmem:s25+$0xFFFFFFE0];
	[tilespmem:s22+$0x0] =	vst v4  }
0x184: {  	v4 =	vld [tilespmem:s25+$0xFFFFFFF0];
	[tilespmem:s22+$0x10] =	vst v5  }
0x185: {  	v5 =	vld [tilespmem:s25+$0x0];
	[tilespmem:s22+$0x20] =	vst v6  }
0x186: {  	v6 =	vld [tilespmem:s25+$0x10];
	[tilespmem:s22+$0xFFFFFFC0] =	vst v8  }
0x187: {  	v8 =	vld [tilespmem:s25+$0x20]  }
0x188: {  	v11 =	vld [tilespmem:s25+$0xFFFFFFC0]  }
0x189: {  	v10 =	vld.idx.msk [tilespmem:v10+s5+$0x0], $0xffff  }
0x18a: {  	v12 =	vld.idx.msk [tilespmem:v9+s5+$0x0], $0xffff  }
0x18b: {  	v9 =	vld.idx.msk [tilespmem:v7+s5+$0x0], $0xffff  }
.Ltmp3:
0x18c: {  	v7 =	vld.idx.msk [tilespmem:v4+s5+$0x0], $0xffff;
	(pc) =	sbr.rel @p0 .LBB2_9-.Ltmp3, $4  }
0x18d: {  	v4 =	vld.idx.msk [tilespmem:v5+s5+$0x0], $0xffff  }
0x18e: {  	s22 =	sadd.s32 $0x80, s22;
	v5 =	vld.idx.msk [tilespmem:v6+s5+$0x0], $0xffff  }
0x18f: {  	v6 =	vld.idx.msk [tilespmem:v8+s5+$0x0], $0xffff;
	[tilespmem:s22+$0x30] =	vst v10  }
0x190: {  	s25 =	sadd.s32 $0x80, s25;
	v8 =	vld.idx.msk [tilespmem:v11+s5+$0x0], $0xffff;
	[tilespmem:s22+$0xFFFFFFD0] =	vst v12  }
0x191: {  	[tilespmem:s22+$0xFFFFFFE0] =	vst v9;
	s21 =	sadd.s32 $0x1, s21  }
0x192: {  	[tilespmem:s22+$0xFFFFFFF0] =	vst v7;
	p0 =	sne.s32 s21, $0x18  }
.Ltmp4:
0x193: {  	[tilespmem:s22+$0x0] =	vst v4;
	(pc) =	sbr.rel @p0 .LBB2_6-.Ltmp4, $4  }
0x194: {  	[tilespmem:s22+$0x10] =	vst v5  }
0x195: {  	s23 =	sadd.s32 s23, s4;
	[tilespmem:s22+$0x20] =	vst v6  }
0x196: {  	s31 =	sadd.s32 $0x10, s23;
	[tilespmem:s22+$0xFFFFFFC0] =	vst v8  }
0x197: {  	[hbm4b:s31+s11] =	stream.strided.scatter [tilespmem:s17], [sflag:$0x3], $0x3100, s12, s11, $0x38;
	[tilespmem:$0x1EB80] =	vst v63  }
0x198: {  	s20 =	sadd.s32 $0x1, s20  }
0x199: {  	_ =	swait.ge [sflag:s16], $0xC400;
	p0 =	sne.s32 s20, s10  }
.Ltmp5:
0x19a: {  	[sflag:s16] =	ssyncset.done $0x0;
	(pc) =	sbr.rel @p0 .LBB2_1-.Ltmp5, $4  }
0x19b: {  	[sflag:s16] =	ssyncadd.s32 $0xFFFF3C00  }
0x19c: {  	_ =	swait.ge [sflag:s19], $0x3100  }
0x19d: {  	[sflag:s19] =	ssyncset.done $0x0  }
0x19e: {  	[sflag:s19] =	ssyncadd.s32 $0xFFFFCF00  }
0x19f: {  	_ =	sfence.sel $0x180000  }
0x1a0: {  	[bflag:$0x0] =	sbarrier.arrive $0xFFFF  }
0x1a1: {  	p0 =	sne.s32 s0, $0x0;
	_ =	strace $0x90000047  }
0x1a2: {  	s0 =	sadd.s32 @!p0 $0x100000, s1;
	[bflag:$0x2] =	sbarrier.arrive $0xFFFF  }
0x1a3: {  	[sflag:s0] =	ssyncadd.tile.s32 @!p0 $0x1;
	_ =	shalt  }
.Lfunc_end2:
_tile_overlayer_lowered:
.L_overlay_start_2:
0x1a4: {  	(tag) =	ssettag $0x2  }
0x1a5: {  	s0 =	rddreg [dreg:$0x0];
	s2 =	stileid.u32  }
0x1a6: {  	s1 =	rddreg [dreg:$0x1];
	p0 =	sne.s32 s2, $0x0  }
0x1a7: {  	s3 =	rddreg [dreg:$0x2];
	[bflag:$0x3] =	sbarrier.arrive $0xFFFF;
	s2 =	simm.s32 @!p0 $0x1C04  }
0x1a8: {  	[timem:s3], [sflag:s2] =	dma.local @!p0 [hbm:s0], s1  }
0x1a9: {  	s0 =	simm.s32 @!p0 $0x4  }
0x1aa: {  	_ =	swait.ge @!p0 [sflag:s0], s1  }
0x1ab: {  	s1 =	ssub.s32 @!p0 $0x0, s1;
	[sflag:s0] =	ssyncset.done @!p0 $0x0  }
0x1ac: {  	[sflag:s0] =	ssyncadd.s32 @!p0 s1  }
0x1ad: {  	[bflag:$0x3] =	sbarrier.arrive $0xFFFF  }
0x1ae: {  	_ =	shalt  }

</sc_bundles>
